<compile_context>
chip_gen: v7x
topology: tpu7x:2x2x1
jax: 0.10.2.dev20260603
libtpu: 0.0.44.dev20260713+nightly
codegen_flags: <defaults>
</compile_context>

<pallas_src>
import functools
import math

import jax
import jax.numpy as jnp
from jax import lax
from jax.experimental import pallas as pl
from jax.experimental.pallas import tpu as pltpu
from jax.experimental.pallas import tpu_sc as plsc

_H = 4


def _make_bfs_kernel(N, E, B):
    mesh = plsc.VectorSubcoreMesh(core_axis_name="c", subcore_axis_name="s")

    @functools.partial(
        pl.kernel,
        mesh=mesh,
        out_type=[jax.ShapeDtypeStruct((B, N), jnp.int32),
                  jax.ShapeDtypeStruct((B, 128), jnp.int32)],
        compiler_params=pltpu.CompilerParams(needs_layout_passes=False),
        scratch_types=[
            pltpu.VMEM((N,), jnp.int32),
            pltpu.VMEM((E,), jnp.int32),
            pltpu.VMEM((E,), jnp.int32),
            pltpu.VMEM((16,), jnp.int32),
        ],
    )
    def bfs(edge_hbm, anch_hbm, dist_hbm, distc_hbm, dist_v, src_v, dst_v,
            anch_v):
        c = lax.axis_index("c")
        s = lax.axis_index("s")

        @pl.when(s == 0)
        def _():
            b = c
            pltpu.sync_copy(edge_hbm.at[0], src_v)
            pltpu.sync_copy(edge_hbm.at[1], dst_v)
            pltpu.sync_copy(anch_hbm, anch_v)
            anchor = plsc.load_gather(anch_v, [jnp.full((16,), b, jnp.int32)])

            def init_body(i, carry):
                lane = lax.iota(jnp.int32, 16) + i * 16
                dist_v[pl.ds(i * 16, 16)] = jnp.where(lane == anchor, 0, N)
                return carry

            lax.fori_loop(0, N // 16, init_body, 0)

            def sweep(carry):
                t, _, cnt = carry

                @plsc.parallel_loop(0, E // 16, unroll=8)
                def _(e):
                    su = src_v[pl.ds(e * 16, 16)]
                    sv = dst_v[pl.ds(e * 16, 16)]
                    du = plsc.load_gather(dist_v, [su])
                    dv = plsc.load_gather(dist_v, [sv])
                    tv = jnp.full((16,), t, jnp.int32)
                    nv = tv + 1
                    m1 = (du == tv) & (dv == N)
                    plsc.store_scatter(dist_v, [sv], nv, mask=m1)
                    m2 = (dv == tv) & (du == N)
                    plsc.store_scatter(dist_v, [su], nv, mask=m2)

                @plsc.parallel_loop(0, N // 16, unroll=8,
                                    carry=jnp.zeros((16,), jnp.int32))
                def cnts(i, acc):
                    d = dist_v[pl.ds(i * 16, 16)]
                    return acc + jnp.where(d < N, 1, 0)

                return t + 1, cnt, jnp.sum(cnts)

            def not_done(carry):
                t, prev, cnt = carry
                return (cnt != prev) & (t < N)

            lax.while_loop(not_done, sweep, (0, -1, 1))
            pltpu.sync_copy(dist_v, dist_hbm.at[b])
            pltpu.sync_copy(dist_v.at[pl.ds(0, 128)], distc_hbm.at[b])

    return bfs


def _attn_body(x_ref, dist_ref, distc_ref, wq_ref, wk_ref, wv_ref, w1_ref,
               b1_ref, w2_ref, b2_ref, feat_ref, score_ref, q_ref, kv_ref):
    B = x_ref.shape[0]
    C = x_ref.shape[1]
    N = x_ref.shape[2]
    Dh = C // _H
    f32 = jnp.float32

    qscale = f32((1.0 / math.sqrt(Dh)) * math.log2(math.e))
    for b in range(B):
        q_ref[b] = jnp.dot(wq_ref[...], x_ref[b],
                           preferred_element_type=f32) * qscale
        kv_ref[b] = x_ref[b, :, :C]

    distc_all = distc_ref[...]
    lm128 = jnp.max(jnp.where(distc_all < N, distc_all, -1))

    def mini_body(l, carry):
        for b in range(B):
            K = jnp.dot(wk_ref[...], kv_ref[b], preferred_element_type=f32)
            V = jnp.dot(wv_ref[...], kv_ref[b], preferred_element_type=f32)
            m128 = dist_ref[b, :, :C] == l
            for h in range(_H):
                rs = slice(h * Dh, (h + 1) * Dh)
                qh = q_ref[b, rs, :C]
                kh = K[rs, :]
                vh = V[rs, :]
                logits = lax.dot_general(
                    kh, qh, (((0,), (0,)), ((), ())),
                    preferred_element_type=f32)
                mx = jnp.max(logits, axis=0, keepdims=True)
                ex = jnp.exp2(logits - mx)
                oh = lax.dot_general(
                    vh, ex, (((1,), (0,)), ((), ())),
                    preferred_element_type=f32)
                oh = oh * (1.0 / jnp.sum(ex, axis=0, keepdims=True))
                updh = oh + x_ref[b, rs, :C]
                kv_ref[b, rs, :] = jnp.where(m128, updh, kv_ref[b, rs, :])
        return carry

    lax.fori_loop(0, lm128 + 1, mini_body, 0)

    for b in range(B):
        kv0 = x_ref[b, :, :C]
        K0 = jnp.dot(wk_ref[...], kv0, preferred_element_type=f32)
        V0 = jnp.dot(wv_ref[...], kv0, preferred_element_type=f32)
        K1 = jnp.dot(wk_ref[...], kv_ref[b], preferred_element_type=f32)
        V1 = jnp.dot(wv_ref[...], kv_ref[b], preferred_element_type=f32)
        dist = dist_ref[b]
        sel = distc_ref[b] < dist
        live = dist < N
        for h in range(_H):
            rs = slice(h * Dh, (h + 1) * Dh)
            qh = q_ref[b, rs, :]
            kcat = jnp.concatenate([K0[rs, :], K1[rs, :]], axis=1)
            lcat = lax.dot_general(kcat, qh, (((0,), (0,)), ((), ())),
                                   preferred_element_type=f32)
            logits = jnp.where(sel, lcat[C:, :], lcat[:C, :])
            mx = jnp.max(logits, axis=0, keepdims=True)
            ex = jnp.exp2(logits - mx)
            e1 = jnp.where(sel, ex, 0.0)
            e0 = ex - e1
            oh = (lax.dot_general(V1[rs, :], e1, (((1,), (0,)), ((), ())),
                                  preferred_element_type=f32)
                  + lax.dot_general(V0[rs, :], e0, (((1,), (0,)), ((), ())),
                                    preferred_element_type=f32))
            oh = oh * (1.0 / jnp.sum(ex, axis=0, keepdims=True))
            xh = x_ref[b, rs, :]
            feat_ref[b, rs, :] = jnp.where(live, oh + xh, xh)

        ff = feat_ref[b]
        h1 = jnp.dot(w1_ref[...], ff, preferred_element_type=f32) + b1_ref[...]
        h1 = jnp.maximum(h1, 0.0)
        sc = jnp.dot(w2_ref[...], h1, preferred_element_type=f32) + b2_ref[...]
        score_ref[b] = 1.0 / (1.0 + jnp.exp(-sc))


def _attention_call(x, dist3, distc3, Wq, Wk, Wv, W1, b1c, W2, b2c):
    B, C, N = x.shape
    f32 = jnp.float32
    feat, score = pl.pallas_call(
        _attn_body,
        out_shape=[
            jax.ShapeDtypeStruct((B, C, N), f32),
            jax.ShapeDtypeStruct((B, 1, N), f32),
        ],
        scratch_shapes=[
            pltpu.VMEM((B, C, N), f32),
            pltpu.VMEM((B, C, C), f32),
        ],
    )(x, dist3, distc3, Wq, Wk, Wv, W1, b1c, W2, b2c)
    return feat, score


def kernel(x, edge_index, anchors, Wq, Wk, Wv, W1, b1, W2, b2):
    B, C, N = x.shape
    E = edge_index.shape[1]
    anch_pad = jnp.pad(anchors.astype(jnp.int32), (0, 16 - B))
    dist, distc = _make_bfs_kernel(N, E, B)(edge_index, anch_pad)
    dist3 = dist.reshape(B, 1, N)
    distc3 = distc.reshape(B, C, 1)
    feat, score = _attention_call(
        x, dist3, distc3, Wq, Wk, Wv, W1,
        b1.reshape(C, 1), W2, b2.reshape(1, 1))
    return feat, score.reshape(B, N, 1)

# --- scband reference (transcript-rebuilt; emitter-appended) ---
"""Pipeline reference for scband-full-flood-fill-networkv2-609885356698 (READ-ONLY COPY).

The authoritative reference and input builder live on the scoring server;
editing this copy changes nothing except your own understanding.
"""

import jax, jax.numpy as jnp
import numpy as np

B, C, N, H = 2, 128, 2048, 4
E = N * 3
Dh = C // H


def setup_inputs(seed: int = 0) -> dict:
    key = jax.random.key(seed)
    ks = jax.random.split(key, 10)
    x = jax.random.normal(ks[0], (B, C, N), dtype=jnp.float32)
    edge_index = jax.random.randint(ks[1], (2, E), 0, N, dtype=jnp.int32)
    anchors = jax.random.randint(ks[2], (B,), 0, N, dtype=jnp.int32)
    s = 1.0 / np.sqrt(C)
    Wq = jax.random.normal(ks[3], (C, C), dtype=jnp.float32) * s
    Wk = jax.random.normal(ks[4], (C, C), dtype=jnp.float32) * s
    Wv = jax.random.normal(ks[5], (C, C), dtype=jnp.float32) * s
    W1 = jax.random.normal(ks[6], (C, C), dtype=jnp.float32) * s
    b1 = jnp.zeros((C,), dtype=jnp.float32)
    W2 = jax.random.normal(ks[7], (1, C), dtype=jnp.float32) * s
    b2 = jnp.zeros((1,), dtype=jnp.float32)
    return {"x": x, "edge_index": edge_index, "anchors": anchors,
            "Wq": Wq, "Wk": Wk, "Wv": Wv, "W1": W1, "b1": b1, "W2": W2, "b2": b2}


def _build_neighbors(edge_index_np):
    nbrs = [set() for _ in range(N)]
    src = edge_index_np[0]
    dst = edge_index_np[1]
    for u, v in zip(src.tolist(), dst.tolist()):
        nbrs[u].add(v)
        nbrs[v].add(u)
    return nbrs


def _bfs_levels(nbrs, anchor):
    done = set([anchor])
    boundary = [anchor]
    levels = []
    while len(boundary) > 0:
        levels.append(sorted(boundary))
        done = done.union(set(boundary))
        nxt = set()
        for u in boundary:
            nxt |= nbrs[u]
        boundary = sorted(nxt - done)
        done |= set(boundary)
    return levels


def _attn_block(qf, kvf, Wq, Wk, Wv):
    nq = qf.shape[1]
    nk = kvf.shape[1]
    Q = (Wq @ qf).reshape(H, Dh, nq)
    K = (Wk @ kvf).reshape(H, Dh, nk)
    V = (Wv @ kvf).reshape(H, Dh, nk)
    logits = jnp.einsum('hdq,hdk->hqk', Q, K) / np.sqrt(Dh)
    a = jax.nn.softmax(logits, axis=-1)
    out = jnp.einsum('hqk,hdk->hdq', a, V).reshape(C, nq)
    return out + qf  # mode='resid'


def reference(x, edge_index, anchors, Wq, Wk, Wv, W1, b1, W2, b2):
    n = x.shape[2]
    adj = jnp.zeros((n, n), dtype=jnp.bool_)
    adj = adj.at[edge_index[0], edge_index[1]].set(True)
    adj = adj.at[edge_index[1], edge_index[0]].set(True)

    def bfs_body(t, dist):
        frontier = dist == t
        nxt = jnp.any(adj & frontier[None, :], axis=1)
        return jnp.where((dist == n) & nxt, t + 1, dist)

    feats = []
    for i in range(B):
        anchor = anchors[i]
        dist0 = jnp.where(jnp.arange(n, dtype=jnp.int32) == anchor,
                          jnp.int32(0), jnp.int32(n))
        dist = jax.lax.fori_loop(0, n, bfs_body, dist0)

        def lvl_body(l, nf):
            # faithful to original: 'others' resolves to range(len(features)) == range(C)
            kv = nf[:, :C]
            upd = _attn_block(nf, kv, Wq, Wk, Wv)
            mask = (dist == l)[None, :]
            return jnp.where(mask, upd, nf)

        nf = jax.lax.fori_loop(0, n, lvl_body, x[i])
        feats.append(nf)
    final_features = jnp.stack(feats)  # [B, C, N]
    h = jnp.einsum('bcn,oc->bno', final_features, W1) + b1  # [B, N, C]
    h = jax.nn.relu(h)
    final_scores = jax.nn.sigmoid(jnp.einsum('bnc,oc->bno', h, W2) + b2)  # [B, N, 1]
    return (final_features, final_scores)

if __name__ == "__main__":
    import jax
    _d = setup_inputs()
    print(jax.jit(kernel)(*tuple(_d.values())))

</pallas_src>

<mosaic_0001>
#map = affine_map<(d0, d1) -> (0, 0)>
#map1 = affine_map<(d0, d1) -> (0)>
module attributes {stable_mosaic.version = 14 : i64} {
  func.func @bfs(%arg0: i32, %arg1: i32, %arg2: memref<2x6144xi32, #tpu.memory_space<hbm>>, %arg3: memref<16xi32, #tpu.memory_space<hbm>>, %arg4: memref<2x2048xi32, #tpu.memory_space<hbm>>, %arg5: memref<2x128xi32, #tpu.memory_space<hbm>>, %arg6: memref<2048xi32, #tpu.memory_space<vmem>>, %arg7: memref<6144xi32, #tpu.memory_space<vmem>>, %arg8: memref<6144xi32, #tpu.memory_space<vmem>>, %arg9: memref<16xi32, #tpu.memory_space<vmem>>) attributes {dimension_semantics = [#tpu.dimension_semantics<core_parallel>, #tpu.dimension_semantics<subcore_parallel>], iteration_bounds = array<i64: 2, 16>, scalar_prefetch = 0 : i64, scratch_operands = 4 : i64, tpu.core_type = #tpu.core_type<sc_vector_subcore>, window_params = [{transform_indices = #map}, {transform_indices = #map1}, {transform_indices = #map}, {transform_indices = #map}]} {
    %eq3A = arith.constant 0 : i32
    %eq3A_0 = arith.cmpi eq, %arg1, %eq3A : i32
    %convert_element_type3A = arith.extui %eq3A_0 : i1 to i32
    %cond3A = arith.constant 0 : i32
    %cond3A_1 = arith.cmpi ne, %convert_element_type3A, %cond3A : i32
    scf.if %cond3A_1 {
      %run_scoped3A = arith.constant 0 : i32
      "tpu.region"() ({
        %run_scoped3A_11 = tpu.sem_alloc : memref<!tpu.dma_semaphore, #tpu.memory_space<semaphore_mem>>
        %dma_start3A = arith.constant 0 : i32
        %dma_start3A_12 = tpu.memref_slice %arg2[%run_scoped3A, %dma_start3A] : memref<2x6144xi32, #tpu.memory_space<hbm>> -> memref<1x6144xi32, #tpu.memory_space<hbm>>
        %dma_start3A_13 = tpu.memref_squeeze %dma_start3A_12 : memref<1x6144xi32, #tpu.memory_space<hbm>> -> memref<6144xi32, #tpu.memory_space<hbm>>
        %dma_start3A_14 = arith.constant 0 : i32
        %dma_start3A_15 = tpu.memref_slice %arg2[%run_scoped3A, %dma_start3A_14] : memref<2x6144xi32, #tpu.memory_space<hbm>> -> memref<1x6144xi32, #tpu.memory_space<hbm>>
        %dma_start3A_16 = tpu.memref_squeeze %dma_start3A_15 : memref<1x6144xi32, #tpu.memory_space<hbm>> -> memref<6144xi32, #tpu.memory_space<hbm>>
        tpu.enqueue_dma source(%dma_start3A_16 : memref<6144xi32, #tpu.memory_space<hbm>>) target(%arg7 : memref<6144xi32, #tpu.memory_space<vmem>>) target_semaphore(%run_scoped3A_11 : memref<!tpu.dma_semaphore, #tpu.memory_space<semaphore_mem>>)
        %dma_wait3A = arith.constant 0 : i32
        %dma_wait3A_17 = tpu.memref_slice %arg2[%run_scoped3A, %dma_wait3A] : memref<2x6144xi32, #tpu.memory_space<hbm>> -> memref<1x6144xi32, #tpu.memory_space<hbm>>
        %dma_wait3A_18 = tpu.memref_squeeze %dma_wait3A_17 : memref<1x6144xi32, #tpu.memory_space<hbm>> -> memref<6144xi32, #tpu.memory_space<hbm>>
        %dma_wait3A_19 = arith.constant 0 : i32
        %dma_wait3A_20 = tpu.memref_slice %arg2[%run_scoped3A, %dma_wait3A_19] : memref<2x6144xi32, #tpu.memory_space<hbm>> -> memref<1x6144xi32, #tpu.memory_space<hbm>>
        %dma_wait3A_21 = tpu.memref_squeeze %dma_wait3A_20 : memref<1x6144xi32, #tpu.memory_space<hbm>> -> memref<6144xi32, #tpu.memory_space<hbm>>
        tpu.wait_dma2 semaphore(%run_scoped3A_11 : memref<!tpu.dma_semaphore, #tpu.memory_space<semaphore_mem>>) src(%dma_wait3A_21 : memref<6144xi32, #tpu.memory_space<hbm>>) dst(%arg7 : memref<6144xi32, #tpu.memory_space<vmem>>)
        tpu.yield
      }) : () -> ()
      %run_scoped3A_2 = arith.constant 1 : i32
      "tpu.region"() ({
        %run_scoped3A_11 = tpu.sem_alloc : memref<!tpu.dma_semaphore, #tpu.memory_space<semaphore_mem>>
        %dma_start3A = arith.constant 0 : i32
        %dma_start3A_12 = tpu.memref_slice %arg2[%run_scoped3A_2, %dma_start3A] : memref<2x6144xi32, #tpu.memory_space<hbm>> -> memref<1x6144xi32, #tpu.memory_space<hbm>>
        %dma_start3A_13 = tpu.memref_squeeze %dma_start3A_12 : memref<1x6144xi32, #tpu.memory_space<hbm>> -> memref<6144xi32, #tpu.memory_space<hbm>>
        %dma_start3A_14 = arith.constant 0 : i32
        %dma_start3A_15 = tpu.memref_slice %arg2[%run_scoped3A_2, %dma_start3A_14] : memref<2x6144xi32, #tpu.memory_space<hbm>> -> memref<1x6144xi32, #tpu.memory_space<hbm>>
        %dma_start3A_16 = tpu.memref_squeeze %dma_start3A_15 : memref<1x6144xi32, #tpu.memory_space<hbm>> -> memref<6144xi32, #tpu.memory_space<hbm>>
        tpu.enqueue_dma source(%dma_start3A_16 : memref<6144xi32, #tpu.memory_space<hbm>>) target(%arg8 : memref<6144xi32, #tpu.memory_space<vmem>>) target_semaphore(%run_scoped3A_11 : memref<!tpu.dma_semaphore, #tpu.memory_space<semaphore_mem>>)
        %dma_wait3A = arith.constant 0 : i32
        %dma_wait3A_17 = tpu.memref_slice %arg2[%run_scoped3A_2, %dma_wait3A] : memref<2x6144xi32, #tpu.memory_space<hbm>> -> memref<1x6144xi32, #tpu.memory_space<hbm>>
        %dma_wait3A_18 = tpu.memref_squeeze %dma_wait3A_17 : memref<1x6144xi32, #tpu.memory_space<hbm>> -> memref<6144xi32, #tpu.memory_space<hbm>>
        %dma_wait3A_19 = arith.constant 0 : i32
        %dma_wait3A_20 = tpu.memref_slice %arg2[%run_scoped3A_2, %dma_wait3A_19] : memref<2x6144xi32, #tpu.memory_space<hbm>> -> memref<1x6144xi32, #tpu.memory_space<hbm>>
        %dma_wait3A_21 = tpu.memref_squeeze %dma_wait3A_20 : memref<1x6144xi32, #tpu.memory_space<hbm>> -> memref<6144xi32, #tpu.memory_space<hbm>>
        tpu.wait_dma2 semaphore(%run_scoped3A_11 : memref<!tpu.dma_semaphore, #tpu.memory_space<semaphore_mem>>) src(%dma_wait3A_21 : memref<6144xi32, #tpu.memory_space<hbm>>) dst(%arg8 : memref<6144xi32, #tpu.memory_space<vmem>>)
        tpu.yield
      }) : () -> ()
      "tpu.region"() ({
        %run_scoped3A_11 = tpu.sem_alloc : memref<!tpu.dma_semaphore, #tpu.memory_space<semaphore_mem>>
        tpu.enqueue_dma source(%arg3 : memref<16xi32, #tpu.memory_space<hbm>>) target(%arg9 : memref<16xi32, #tpu.memory_space<vmem>>) target_semaphore(%run_scoped3A_11 : memref<!tpu.dma_semaphore, #tpu.memory_space<semaphore_mem>>)
        tpu.wait_dma2 semaphore(%run_scoped3A_11 : memref<!tpu.dma_semaphore, #tpu.memory_space<semaphore_mem>>) src(%arg3 : memref<16xi32, #tpu.memory_space<hbm>>) dst(%arg9 : memref<16xi32, #tpu.memory_space<vmem>>)
        tpu.yield
      }) : () -> ()
      %broadcast_in_dim3A = vector.broadcast %arg0 : i32 to vector<16xi32>
      %gather3A = tpu.vector_load_idx %arg9[%broadcast_in_dim3A] : memref<16xi32, #tpu.memory_space<vmem>>[vector<16xi32>], vector<16xi32>,
      %scan3A = arith.constant 0 : i32
      %scan3A_3 = arith.constant 0 : i32
      %scan3A_4 = arith.constant 128 : i32
      %scan3A_5 = arith.addi %scan3A_3, %scan3A_4 : i32
      %scan3A_6 = arith.constant 1 : i32
      scf.for %scan3A_11 = %scan3A_3 to %scan3A_5 step %scan3A_6  : i32 {
        %iota3A = tpu.iota {dimensions = array<i32: 0>} : vector<16xi32>
        %mul3A = arith.constant 16 : i32
        %mul3A_12 = arith.muli %scan3A_11, %mul3A : i32
        %add3A = vector.broadcast %mul3A_12 : i32 to vector<16xi32>
        %add3A_13 = arith.addi %iota3A, %add3A : vector<16xi32>
        %eq3A_14 = arith.cmpi eq, %add3A_13, %gather3A : vector<16xi32>
        %jit3A = arith.constant 0 : i32
        %jit3A_15 = arith.constant 2048 : i32
        %broadcast_in_dim3A_16 = vector.broadcast %jit3A : i32 to vector<16xi32>
        %broadcast_in_dim3A_17 = vector.broadcast %jit3A_15 : i32 to vector<16xi32>
        %select_n3A = arith.select %eq3A_14, %broadcast_in_dim3A_16, %broadcast_in_dim3A_17 : vector<16xi1>, vector<16xi32>
        %mul3A_18 = arith.constant 16 : i32
        %mul3A_19 = arith.muli %scan3A_11, %mul3A_18 : i32
        %swap3A = arith.index_cast %mul3A_19 : i32 to index
        %swap3A_20 = tpu.vector_load %arg6[%swap3A] {strides = array<i32>} : memref<2048xi32, #tpu.memory_space<vmem>>, vector<16xi32>,
        tpu.vector_store %arg6[%swap3A], %select_n3A {strides = array<i32>} : memref<2048xi32, #tpu.memory_space<vmem>>, vector<16xi32>,
      }
      %scan3A_7 = arith.constant 128 : i32
      %while3A = arith.constant 0 : i32
      %while3A_8 = arith.constant -1 : i32
      %while3A_9 = arith.constant 1 : i32
      %while3A_10:3 = scf.while (%while3A_11 = %while3A, %while3A_12 = %while3A_8, %while3A_13 = %while3A_9) : (i32, i32, i32) -> (i32, i32, i32) {
        %ne3A = arith.cmpi ne, %while3A_13, %while3A_12 : i32
        %lt3A = arith.constant 2048 : i32
        %lt3A_14 = arith.cmpi slt, %while3A_11, %lt3A : i32
        %and3A = arith.andi %ne3A, %lt3A_14 : i1
        scf.condition(%and3A) %while3A_11, %while3A_12, %while3A_13 : i32, i32, i32
      } do {
      ^bb0(%while3A_11: i32, %while3A_12: i32, %while3A_13: i32):
        %parallel_loop3A = arith.constant 0 : i32
        %parallel_loop3A_14 = arith.constant 384 : i32
        %parallel_loop3A_15 = arith.constant 1 : i32
        scf.for %parallel_loop3A_26 = %parallel_loop3A to %parallel_loop3A_14 step %parallel_loop3A_15  : i32 {
          %parallel_loop3A_27 = arith.constant 16 : i32
          %parallel_loop3A_28 = arith.muli %parallel_loop3A_26, %parallel_loop3A_27 : i32
          %parallel_loop3A_29 = arith.index_cast %parallel_loop3A_28 : i32 to index
          %parallel_loop3A_30 = tpu.vector_load %arg7[%parallel_loop3A_29] {strides = array<i32>} : memref<6144xi32, #tpu.memory_space<vmem>>, vector<16xi32>,
          %parallel_loop3A_31 = arith.constant 16 : i32
          %parallel_loop3A_32 = arith.muli %parallel_loop3A_26, %parallel_loop3A_31 : i32
          %parallel_loop3A_33 = arith.index_cast %parallel_loop3A_32 : i32 to index
          %parallel_loop3A_34 = tpu.vector_load %arg8[%parallel_loop3A_33] {strides = array<i32>} : memref<6144xi32, #tpu.memory_space<vmem>>, vector<16xi32>,
          %parallel_loop3A_35 = tpu.vector_load_idx %arg6[%parallel_loop3A_30] : memref<2048xi32, #tpu.memory_space<vmem>>[vector<16xi32>], vector<16xi32>,
          %parallel_loop3A_36 = tpu.vector_load_idx %arg6[%parallel_loop3A_34] : memref<2048xi32, #tpu.memory_space<vmem>>[vector<16xi32>], vector<16xi32>,
          %parallel_loop3A_37 = vector.broadcast %while3A_11 : i32 to vector<16xi32>
          %parallel_loop3A_38 = arith.constant 1 : i32
          %parallel_loop3A_39 = vector.broadcast %parallel_loop3A_38 : i32 to vector<16xi32>
          %parallel_loop3A_40 = arith.addi %parallel_loop3A_37, %parallel_loop3A_39 : vector<16xi32>
          %parallel_loop3A_41 = arith.cmpi eq, %parallel_loop3A_35, %parallel_loop3A_37 : vector<16xi32>
          %parallel_loop3A_42 = arith.constant 2048 : i32
          %parallel_loop3A_43 = vector.broadcast %parallel_loop3A_42 : i32 to vector<16xi32>
          %parallel_loop3A_44 = arith.cmpi eq, %parallel_loop3A_36, %parallel_loop3A_43 : vector<16xi32>
          %parallel_loop3A_45 = arith.andi %parallel_loop3A_41, %parallel_loop3A_44 : vector<16xi1>
          tpu.vector_store_idx %arg6[%parallel_loop3A_34], %parallel_loop3A_40 masked %parallel_loop3A_45 : memref<2048xi32, #tpu.memory_space<vmem>>[vector<16xi32>], vector<16xi32>, vector<16xi1>
          %parallel_loop3A_46 = arith.cmpi eq, %parallel_loop3A_36, %parallel_loop3A_37 : vector<16xi32>
          %parallel_loop3A_47 = arith.constant 2048 : i32
          %parallel_loop3A_48 = vector.broadcast %parallel_loop3A_47 : i32 to vector<16xi32>
          %parallel_loop3A_49 = arith.cmpi eq, %parallel_loop3A_35, %parallel_loop3A_48 : vector<16xi32>
          %parallel_loop3A_50 = arith.andi %parallel_loop3A_46, %parallel_loop3A_49 : vector<16xi1>
          tpu.vector_store_idx %arg6[%parallel_loop3A_30], %parallel_loop3A_40 masked %parallel_loop3A_50 : memref<2048xi32, #tpu.memory_space<vmem>>[vector<16xi32>], vector<16xi32>, vector<16xi1>
        } {sc.loop_unroll_factor = 8 : i64, sc.parallel_access}
        %broadcast_in_dim3A_16 = arith.constant 0 : i32
        %broadcast_in_dim3A_17 = vector.broadcast %broadcast_in_dim3A_16 : i32 to vector<16xi32>
        %parallel_loop3A_18 = arith.constant 0 : i32
        %parallel_loop3A_19 = arith.constant 128 : i32
        %parallel_loop3A_20 = arith.constant 1 : i32
        %parallel_loop3A_21 = scf.for %parallel_loop3A_26 = %parallel_loop3A_18 to %parallel_loop3A_19 step %parallel_loop3A_20 iter_args(%parallel_loop3A_27 = %broadcast_in_dim3A_17) -> (vector<16xi32>)  : i32 {
          %parallel_loop3A_28 = arith.constant 16 : i32
          %parallel_loop3A_29 = arith.muli %parallel_loop3A_26, %parallel_loop3A_28 : i32
          %parallel_loop3A_30 = arith.index_cast %parallel_loop3A_29 : i32 to index
          %parallel_loop3A_31 = tpu.vector_load %arg6[%parallel_loop3A_30] {strides = array<i32>} : memref<2048xi32, #tpu.memory_space<vmem>>, vector<16xi32>,
          %parallel_loop3A_32 = arith.constant 2048 : i32
          %parallel_loop3A_33 = vector.broadcast %parallel_loop3A_32 : i32 to vector<16xi32>
          %parallel_loop3A_34 = arith.cmpi slt, %parallel_loop3A_31, %parallel_loop3A_33 : vector<16xi32>
          %parallel_loop3A_35 = arith.constant 1 : i32
          %parallel_loop3A_36 = arith.constant 0 : i32
          %parallel_loop3A_37 = vector.broadcast %parallel_loop3A_35 : i32 to vector<16xi32>
          %parallel_loop3A_38 = vector.broadcast %parallel_loop3A_36 : i32 to vector<16xi32>
          %parallel_loop3A_39 = arith.select %parallel_loop3A_34, %parallel_loop3A_37, %parallel_loop3A_38 : vector<16xi1>, vector<16xi32>
          %parallel_loop3A_40 = arith.addi %parallel_loop3A_27, %parallel_loop3A_39 : vector<16xi32>
          scf.yield %parallel_loop3A_40 : vector<16xi32>
        } {sc.loop_unroll_factor = 8 : i64, sc.parallel_access}
        %add3A = arith.constant 1 : i32
        %add3A_22 = arith.addi %while3A_11, %add3A : i32
        %reduce_sum3A = arith.constant true
        %reduce_sum3A_23 = vector.broadcast %reduce_sum3A : i1 to vector<16xi1>
        %reduce_sum3A_24 = tpu.scan <sum>, %parallel_loop3A_21 masked %reduce_sum3A_23 : vector<16xi32>, vector<16xi1> -> vector<16xi32>
        %reduce_sum3A_25 = vector.extract %reduce_sum3A_24[15] : i32 from vector<16xi32>
        scf.yield %add3A_22, %while3A_13, %reduce_sum3A_25 : i32, i32, i32
      }
      "tpu.region"() ({
        %run_scoped3A_11 = tpu.sem_alloc : memref<!tpu.dma_semaphore, #tpu.memory_space<semaphore_mem>>
        %dma_start3A = arith.constant 0 : i32
        %dma_start3A_12 = tpu.memref_slice %arg4[%arg0, %dma_start3A] : memref<2x2048xi32, #tpu.memory_space<hbm>> -> memref<1x2048xi32, #tpu.memory_space<hbm>>
        %dma_start3A_13 = tpu.memref_squeeze %dma_start3A_12 : memref<1x2048xi32, #tpu.memory_space<hbm>> -> memref<2048xi32, #tpu.memory_space<hbm>>
        %dma_start3A_14 = arith.constant 0 : i32
        %dma_start3A_15 = tpu.memref_slice %arg4[%arg0, %dma_start3A_14] : memref<2x2048xi32, #tpu.memory_space<hbm>> -> memref<1x2048xi32, #tpu.memory_space<hbm>>
        %dma_start3A_16 = tpu.memref_squeeze %dma_start3A_15 : memref<1x2048xi32, #tpu.memory_space<hbm>> -> memref<2048xi32, #tpu.memory_space<hbm>>
        tpu.enqueue_dma source(%arg6 : memref<2048xi32, #tpu.memory_space<vmem>>) target(%dma_start3A_16 : memref<2048xi32, #tpu.memory_space<hbm>>) target_semaphore(%run_scoped3A_11 : memref<!tpu.dma_semaphore, #tpu.memory_space<semaphore_mem>>)
        %dma_wait3A = arith.constant 0 : i32
        %dma_wait3A_17 = tpu.memref_slice %arg4[%arg0, %dma_wait3A] : memref<2x2048xi32, #tpu.memory_space<hbm>> -> memref<1x2048xi32, #tpu.memory_space<hbm>>
        %dma_wait3A_18 = tpu.memref_squeeze %dma_wait3A_17 : memref<1x2048xi32, #tpu.memory_space<hbm>> -> memref<2048xi32, #tpu.memory_space<hbm>>
        %dma_wait3A_19 = arith.constant 0 : i32
        %dma_wait3A_20 = tpu.memref_slice %arg4[%arg0, %dma_wait3A_19] : memref<2x2048xi32, #tpu.memory_space<hbm>> -> memref<1x2048xi32, #tpu.memory_space<hbm>>
        %dma_wait3A_21 = tpu.memref_squeeze %dma_wait3A_20 : memref<1x2048xi32, #tpu.memory_space<hbm>> -> memref<2048xi32, #tpu.memory_space<hbm>>
        tpu.wait_dma2 semaphore(%run_scoped3A_11 : memref<!tpu.dma_semaphore, #tpu.memory_space<semaphore_mem>>) src(%arg6 : memref<2048xi32, #tpu.memory_space<vmem>>) dst(%dma_wait3A_21 : memref<2048xi32, #tpu.memory_space<hbm>>)
        tpu.yield
      }) : () -> ()
      "tpu.region"() ({
        %run_scoped3A_11 = tpu.sem_alloc : memref<!tpu.dma_semaphore, #tpu.memory_space<semaphore_mem>>
        %dma_start3A = arith.constant 0 : i32
        %dma_start3A_12 = tpu.memref_slice %arg6[%dma_start3A] : memref<2048xi32, #tpu.memory_space<vmem>> -> memref<128xi32, #tpu.memory_space<vmem>>
        %dma_start3A_13 = arith.constant 0 : i32
        %dma_start3A_14 = tpu.memref_slice %arg5[%arg0, %dma_start3A_13] : memref<2x128xi32, #tpu.memory_space<hbm>> -> memref<1x128xi32, #tpu.memory_space<hbm>>
        %dma_start3A_15 = tpu.memref_squeeze %dma_start3A_14 : memref<1x128xi32, #tpu.memory_space<hbm>> -> memref<128xi32, #tpu.memory_space<hbm>>
        %dma_start3A_16 = arith.constant 0 : i32
        %dma_start3A_17 = tpu.memref_slice %arg5[%arg0, %dma_start3A_16] : memref<2x128xi32, #tpu.memory_space<hbm>> -> memref<1x128xi32, #tpu.memory_space<hbm>>
        %dma_start3A_18 = tpu.memref_squeeze %dma_start3A_17 : memref<1x128xi32, #tpu.memory_space<hbm>> -> memref<128xi32, #tpu.memory_space<hbm>>
        %dma_start3A_19 = arith.constant 0 : i32
        %dma_start3A_20 = tpu.memref_slice %arg6[%dma_start3A_19] : memref<2048xi32, #tpu.memory_space<vmem>> -> memref<128xi32, #tpu.memory_space<vmem>>
        tpu.enqueue_dma source(%dma_start3A_20 : memref<128xi32, #tpu.memory_space<vmem>>) target(%dma_start3A_18 : memref<128xi32, #tpu.memory_space<hbm>>) target_semaphore(%run_scoped3A_11 : memref<!tpu.dma_semaphore, #tpu.memory_space<semaphore_mem>>)
        %dma_wait3A = arith.constant 0 : i32
        %dma_wait3A_21 = tpu.memref_slice %arg6[%dma_wait3A] : memref<2048xi32, #tpu.memory_space<vmem>> -> memref<128xi32, #tpu.memory_space<vmem>>
        %dma_wait3A_22 = arith.constant 0 : i32
        %dma_wait3A_23 = tpu.memref_slice %arg5[%arg0, %dma_wait3A_22] : memref<2x128xi32, #tpu.memory_space<hbm>> -> memref<1x128xi32, #tpu.memory_space<hbm>>
        %dma_wait3A_24 = tpu.memref_squeeze %dma_wait3A_23 : memref<1x128xi32, #tpu.memory_space<hbm>> -> memref<128xi32, #tpu.memory_space<hbm>>
        %dma_wait3A_25 = arith.constant 0 : i32
        %dma_wait3A_26 = tpu.memref_slice %arg5[%arg0, %dma_wait3A_25] : memref<2x128xi32, #tpu.memory_space<hbm>> -> memref<1x128xi32, #tpu.memory_space<hbm>>
        %dma_wait3A_27 = tpu.memref_squeeze %dma_wait3A_26 : memref<1x128xi32, #tpu.memory_space<hbm>> -> memref<128xi32, #tpu.memory_space<hbm>>
        %dma_wait3A_28 = arith.constant 0 : i32
        %dma_wait3A_29 = tpu.memref_slice %arg6[%dma_wait3A_28] : memref<2048xi32, #tpu.memory_space<vmem>> -> memref<128xi32, #tpu.memory_space<vmem>>
        tpu.wait_dma2 semaphore(%run_scoped3A_11 : memref<!tpu.dma_semaphore, #tpu.memory_space<semaphore_mem>>) src(%dma_wait3A_29 : memref<128xi32, #tpu.memory_space<vmem>>) dst(%dma_wait3A_27 : memref<128xi32, #tpu.memory_space<hbm>>)
        tpu.yield
      }) : () -> ()
    } else {
    }
    return
  }
}

module attributes {stable_mosaic.version = 14 : i64} {
  func.func @_attn_body(%arg0: memref<2x128x2048xf32, #tpu.memory_space<vmem>>, %arg1: memref<2x1x2048xi32, #tpu.memory_space<vmem>>, %arg2: memref<2x128x1xi32, #tpu.memory_space<vmem>>, %arg3: memref<128x128xf32, #tpu.memory_space<vmem>>, %arg4: memref<128x128xf32, #tpu.memory_space<vmem>>, %arg5: memref<128x128xf32, #tpu.memory_space<vmem>>, %arg6: memref<128x128xf32, #tpu.memory_space<vmem>>, %arg7: memref<128x1xf32, #tpu.memory_space<vmem>>, %arg8: memref<1x128xf32, #tpu.memory_space<vmem>>, %arg9: memref<1x1xf32, #tpu.memory_space<vmem>>, %arg10: memref<2x128x2048xf32, #tpu.memory_space<vmem>>, %arg11: memref<2x1x2048xf32, #tpu.memory_space<vmem>>, %arg12: memref<2x128x2048xf32, #tpu.memory_space<vmem>>, %arg13: memref<2x128x128xf32, #tpu.memory_space<vmem>>) attributes {dimension_semantics = [], scalar_prefetch = 0 : i64, scratch_operands = 2 : i64, tpu.core_type = #tpu.core_type<tc>} {
    %get3A = arith.constant 0 : index
    %get3A_0 = arith.constant 0 : index
    %get3A_1 = vector.load %arg3[%get3A, %get3A_0] : memref<128x128xf32, #tpu.memory_space<vmem>>, vector<128x128xf32>
    %get3A_2 = arith.constant 0 : index
    %get3A_3 = arith.constant 0 : index
    %get3A_4 = arith.constant 0 : index
    %get3A_5 = vector.load %arg0[%get3A_2, %get3A_3, %get3A_4] : memref<2x128x2048xf32, #tpu.memory_space<vmem>>, vector<1x128x2048xf32>
    %get3A_6 = vector.shape_cast %get3A_5 : vector<1x128x2048xf32> to vector<128x2048xf32>
    %dot_general3A = arith.constant dense<0.000000e+00> : vector<128x2048xf32>
    %dot_general3A_7 = tpu.matmul %get3A_1, %get3A_6, %dot_general3A {dimension_numbers = #tpu.dot_dimension_numbers<[1], [0], [0], [1], [0, 0, 1, 1], [], []>, transpose_lhs_hint = false} : vector<128x128xf32>, vector<128x2048xf32>, vector<128x2048xf32> -> vector<128x2048xf32>
    %mul3A = arith.constant 0.255034864 : f32
    %mul3A_8 = vector.broadcast %mul3A : f32 to vector<128x2048xf32>
    %mul3A_9 = arith.mulf %dot_general3A_7, %mul3A_8 : vector<128x2048xf32>
    %swap3A = arith.constant 0 : index
    %swap3A_10 = arith.constant 0 : index
    %swap3A_11 = arith.constant 0 : index
    %swap3A_12 = vector.load %arg12[%swap3A, %swap3A_10, %swap3A_11] : memref<2x128x2048xf32, #tpu.memory_space<vmem>>, vector<1x128x2048xf32>
    %swap3A_13 = vector.shape_cast %swap3A_12 : vector<1x128x2048xf32> to vector<128x2048xf32>
    %swap3A_14 = vector.shape_cast %mul3A_9 : vector<128x2048xf32> to vector<1x128x2048xf32>
    tpu.vector_store %arg12[%swap3A, %swap3A_10, %swap3A_11], %swap3A_14 {strides = array<i32>} : memref<2x128x2048xf32, #tpu.memory_space<vmem>>, vector<1x128x2048xf32>,
    %get3A_15 = arith.constant 0 : index
    %get3A_16 = arith.constant 0 : index
    %get3A_17 = arith.constant 0 : index
    %get3A_18 = vector.load %arg0[%get3A_15, %get3A_16, %get3A_17] : memref<2x128x2048xf32, #tpu.memory_space<vmem>>, vector<1x128x128xf32>
    %get3A_19 = vector.shape_cast %get3A_18 : vector<1x128x128xf32> to vector<128x128xf32>
    %swap3A_20 = arith.constant 0 : index
    %swap3A_21 = arith.constant 0 : index
    %swap3A_22 = arith.constant 0 : index
    %swap3A_23 = vector.load %arg13[%swap3A_20, %swap3A_21, %swap3A_22] : memref<2x128x128xf32, #tpu.memory_space<vmem>>, vector<1x128x128xf32>
    %swap3A_24 = vector.shape_cast %swap3A_23 : vector<1x128x128xf32> to vector<128x128xf32>
    %swap3A_25 = vector.shape_cast %get3A_19 : vector<128x128xf32> to vector<1x128x128xf32>
    tpu.vector_store %arg13[%swap3A_20, %swap3A_21, %swap3A_22], %swap3A_25 {strides = array<i32>} : memref<2x128x128xf32, #tpu.memory_space<vmem>>, vector<1x128x128xf32>,
    %get3A_26 = arith.constant 0 : index
    %get3A_27 = arith.constant 0 : index
    %get3A_28 = vector.load %arg3[%get3A_26, %get3A_27] : memref<128x128xf32, #tpu.memory_space<vmem>>, vector<128x128xf32>
    %get3A_29 = arith.constant 1 : index
    %get3A_30 = arith.constant 0 : index
    %get3A_31 = arith.constant 0 : index
    %get3A_32 = vector.load %arg0[%get3A_29, %get3A_30, %get3A_31] : memref<2x128x2048xf32, #tpu.memory_space<vmem>>, vector<1x128x2048xf32>
    %get3A_33 = vector.shape_cast %get3A_32 : vector<1x128x2048xf32> to vector<128x2048xf32>
    %dot_general3A_34 = arith.constant dense<0.000000e+00> : vector<128x2048xf32>
    %dot_general3A_35 = tpu.matmul %get3A_28, %get3A_33, %dot_general3A_34 {dimension_numbers = #tpu.dot_dimension_numbers<[1], [0], [0], [1], [0, 0, 1, 1], [], []>, transpose_lhs_hint = false} : vector<128x128xf32>, vector<128x2048xf32>, vector<128x2048xf32> -> vector<128x2048xf32>
    %mul3A_36 = arith.constant 0.255034864 : f32
    %mul3A_37 = vector.broadcast %mul3A_36 : f32 to vector<128x2048xf32>
    %mul3A_38 = arith.mulf %dot_general3A_35, %mul3A_37 : vector<128x2048xf32>
    %swap3A_39 = arith.constant 1 : index
    %swap3A_40 = arith.constant 0 : index
    %swap3A_41 = arith.constant 0 : index
    %swap3A_42 = vector.load %arg12[%swap3A_39, %swap3A_40, %swap3A_41] : memref<2x128x2048xf32, #tpu.memory_space<vmem>>, vector<1x128x2048xf32>
    %swap3A_43 = vector.shape_cast %swap3A_42 : vector<1x128x2048xf32> to vector<128x2048xf32>
    %swap3A_44 = vector.shape_cast %mul3A_38 : vector<128x2048xf32> to vector<1x128x2048xf32>
    tpu.vector_store %arg12[%swap3A_39, %swap3A_40, %swap3A_41], %swap3A_44 {strides = array<i32>} : memref<2x128x2048xf32, #tpu.memory_space<vmem>>, vector<1x128x2048xf32>,
    %get3A_45 = arith.constant 1 : index
    %get3A_46 = arith.constant 0 : index
    %get3A_47 = arith.constant 0 : index
    %get3A_48 = vector.load %arg0[%get3A_45, %get3A_46, %get3A_47] : memref<2x128x2048xf32, #tpu.memory_space<vmem>>, vector<1x128x128xf32>
    %get3A_49 = vector.shape_cast %get3A_48 : vector<1x128x128xf32> to vector<128x128xf32>
    %swap3A_50 = arith.constant 1 : index
    %swap3A_51 = arith.constant 0 : index
    %swap3A_52 = arith.constant 0 : index
    %swap3A_53 = vector.load %arg13[%swap3A_50, %swap3A_51, %swap3A_52] : memref<2x128x128xf32, #tpu.memory_space<vmem>>, vector<1x128x128xf32>
    %swap3A_54 = vector.shape_cast %swap3A_53 : vector<1x128x128xf32> to vector<128x128xf32>
    %swap3A_55 = vector.shape_cast %get3A_49 : vector<128x128xf32> to vector<1x128x128xf32>
    tpu.vector_store %arg13[%swap3A_50, %swap3A_51, %swap3A_52], %swap3A_55 {strides = array<i32>} : memref<2x128x128xf32, #tpu.memory_space<vmem>>, vector<1x128x128xf32>,
    %get3A_56 = arith.constant 0 : index
    %get3A_57 = arith.constant 0 : index
    %get3A_58 = arith.constant 0 : index
    %get3A_59 = vector.load %arg2[%get3A_56, %get3A_57, %get3A_58] : memref<2x128x1xi32, #tpu.memory_space<vmem>>, vector<2x128x1xi32>
    %lt3A = arith.constant 2048 : i32
    %lt3A_60 = vector.broadcast %lt3A : i32 to vector<2x128x1xi32>
    %lt3A_61 = arith.cmpi slt, %get3A_59, %lt3A_60 : vector<2x128x1xi32>
    %jit3A = arith.constant -1 : i32
    %broadcast_in_dim3A = vector.broadcast %jit3A : i32 to vector<2x128x1xi32>
    %select_n3A = arith.select %lt3A_61, %get3A_59, %broadcast_in_dim3A : vector<2x128x1xi1>, vector<2x128x1xi32>
    %reduce_max3A = vector.shape_cast %select_n3A : vector<2x128x1xi32> to vector<1x2x128x1xi32>
    %reduce_max3A_62 = arith.constant dense<-2147483648> : vector<1xi32>
    %reduce_max3A_63 = vector.multi_reduction <maxsi>, %reduce_max3A, %reduce_max3A_62 [1, 2, 3] : vector<1x2x128x1xi32> to vector<1xi32>
    %reduce_max3A_64 = vector.shape_cast %reduce_max3A_63 : vector<1xi32> to vector<1x1x1x1xi32>
    %reduce_max3A_65 = vector.extract %reduce_max3A_64[0, 0, 0, 0] : i32 from vector<1x1x1x1xi32>
    %add3A = arith.constant 1 : i32
    %add3A_66 = arith.addi %reduce_max3A_65, %add3A : i32
    %while3A = arith.constant 0 : i32
    %while3A_67 = arith.constant 0 : i32
    %while3A_68 = arith.subi %add3A_66, %while3A_67 : i32
    %while3A_69 = arith.addi %while3A_67, %while3A_68 : i32
    %while3A_70 = arith.constant 1 : i32
    %while3A_71 = arith.divsi %while3A_68, %while3A_70 : i32
    %while3A_72 = arith.muli %while3A_71, %while3A_70 : i32
    %while3A_73 = arith.addi %while3A_67, %while3A_72 : i32
    %while3A_74 = arith.constant 1 : i32
    scf.for %while3A_681 = %while3A_67 to %while3A_73 step %while3A_74  : i32 {
      %get3A_682 = arith.constant 0 : index
      %get3A_683 = arith.constant 0 : index
      %get3A_684 = vector.load %arg4[%get3A_682, %get3A_683] : memref<128x128xf32, #tpu.memory_space<vmem>>, vector<128x128xf32>
      %get3A_685 = arith.constant 0 : index
      %get3A_686 = arith.constant 0 : index
      %get3A_687 = arith.constant 0 : index
      %get3A_688 = vector.load %arg13[%get3A_685, %get3A_686, %get3A_687] : memref<2x128x128xf32, #tpu.memory_space<vmem>>, vector<1x128x128xf32>
      %get3A_689 = vector.shape_cast %get3A_688 : vector<1x128x128xf32> to vector<128x128xf32>
      %dot_general3A_690 = arith.constant dense<0.000000e+00> : vector<128x128xf32>
      %dot_general3A_691 = tpu.matmul %get3A_684, %get3A_689, %dot_general3A_690 {dimension_numbers = #tpu.dot_dimension_numbers<[1], [0], [0], [1], [0, 0, 1, 1], [], []>, transpose_lhs_hint = false} : vector<128x128xf32>, vector<128x128xf32>, vector<128x128xf32> -> vector<128x128xf32>
      %get3A_692 = arith.constant 0 : index
      %get3A_693 = arith.constant 0 : index
      %get3A_694 = vector.load %arg5[%get3A_692, %get3A_693] : memref<128x128xf32, #tpu.memory_space<vmem>>, vector<128x128xf32>
      %get3A_695 = arith.constant 0 : index
      %get3A_696 = arith.constant 0 : index
      %get3A_697 = arith.constant 0 : index
      %get3A_698 = vector.load %arg13[%get3A_695, %get3A_696, %get3A_697] : memref<2x128x128xf32, #tpu.memory_space<vmem>>, vector<1x128x128xf32>
      %get3A_699 = vector.shape_cast %get3A_698 : vector<1x128x128xf32> to vector<128x128xf32>
      %dot_general3A_700 = arith.constant dense<0.000000e+00> : vector<128x128xf32>
      %dot_general3A_701 = tpu.matmul %get3A_694, %get3A_699, %dot_general3A_700 {dimension_numbers = #tpu.dot_dimension_numbers<[1], [0], [0], [1], [0, 0, 1, 1], [], []>, transpose_lhs_hint = false} : vector<128x128xf32>, vector<128x128xf32>, vector<128x128xf32> -> vector<128x128xf32>
      %get3A_702 = arith.constant 0 : index
      %get3A_703 = arith.constant 0 : index
      %get3A_704 = arith.constant 0 : index
      %get3A_705 = vector.load %arg1[%get3A_702, %get3A_703, %get3A_704] : memref<2x1x2048xi32, #tpu.memory_space<vmem>>, vector<1x1x128xi32>
      %get3A_706 = vector.shape_cast %get3A_705 : vector<1x1x128xi32> to vector<1x128xi32>
      %eq3A = vector.broadcast %while3A_681 : i32 to vector<1x128xi32>
      %eq3A_707 = arith.cmpi eq, %get3A_706, %eq3A : vector<1x128xi32>
      %get3A_708 = arith.constant 0 : index
      %get3A_709 = arith.constant 0 : index
      %get3A_710 = arith.constant 0 : index
      %get3A_711 = vector.load %arg12[%get3A_708, %get3A_709, %get3A_710] : memref<2x128x2048xf32, #tpu.memory_space<vmem>>, vector<1x32x128xf32>
      %get3A_712 = vector.shape_cast %get3A_711 : vector<1x32x128xf32> to vector<32x128xf32>
      %slice3A_713 = vector.extract_strided_slice %dot_general3A_691 {offsets = [0, 0], sizes = [32, 128], strides = [1, 1]} : vector<128x128xf32> to vector<32x128xf32>
      %slice3A_714 = vector.extract_strided_slice %dot_general3A_701 {offsets = [0, 0], sizes = [32, 128], strides = [1, 1]} : vector<128x128xf32> to vector<32x128xf32>
      %dot_general3A_715 = arith.constant dense<0.000000e+00> : vector<128x128xf32>
      %dot_general3A_716 = tpu.matmul %slice3A_713, %get3A_712, %dot_general3A_715 {dimension_numbers = #tpu.dot_dimension_numbers<[0], [0], [1], [1], [0, 1, 1, 1], [], []>, transpose_lhs_hint = false} : vector<32x128xf32>, vector<32x128xf32>, vector<128x128xf32> -> vector<128x128xf32>
      %reduce_max3A_717 = arith.constant dense<0xFF800000> : vector<128xf32>
      %reduce_max3A_718 = vector.multi_reduction <maximumf>, %dot_general3A_716, %reduce_max3A_717 [0] : vector<128x128xf32> to vector<128xf32>
      %broadcast_in_dim3A_719 = vector.shape_cast %reduce_max3A_718 : vector<128xf32> to vector<1x128xf32>
      %sub3A_720 = vector.broadcast %broadcast_in_dim3A_719 : vector<1x128xf32> to vector<128x128xf32>
      %sub3A_721 = arith.subf %dot_general3A_716, %sub3A_720 : vector<128x128xf32>
      %exp23A_722 = math.exp2 %sub3A_721 : vector<128x128xf32>
      %dot_general3A_723 = arith.constant dense<0.000000e+00> : vector<32x128xf32>
      %dot_general3A_724 = tpu.matmul %slice3A_714, %exp23A_722, %dot_general3A_723 {dimension_numbers = #tpu.dot_dimension_numbers<[1], [0], [0], [1], [0, 0, 1, 1], [], []>, transpose_lhs_hint = false} : vector<32x128xf32>, vector<128x128xf32>, vector<32x128xf32> -> vector<32x128xf32>
      %reduce_sum3A_725 = arith.constant dense<0.000000e+00> : vector<128xf32>
      %reduce_sum3A_726 = vector.multi_reduction <add>, %exp23A_722, %reduce_sum3A_725 [0] : vector<128x128xf32> to vector<128xf32>
      %broadcast_in_dim3A_727 = vector.shape_cast %reduce_sum3A_726 : vector<128xf32> to vector<1x128xf32>
      %div3A_728 = arith.constant 1.000000e+00 : f32
      %div3A_729 = vector.broadcast %div3A_728 : f32 to vector<1x128xf32>
      %div3A_730 = arith.divf %div3A_729, %broadcast_in_dim3A_727 : vector<1x128xf32>
      %mul3A_731 = vector.broadcast %div3A_730 : vector<1x128xf32> to vector<32x128xf32>
      %mul3A_732 = arith.mulf %dot_general3A_724, %mul3A_731 : vector<32x128xf32>
      %get3A_733 = arith.constant 0 : index
      %get3A_734 = arith.constant 0 : index
      %get3A_735 = arith.constant 0 : index
      %get3A_736 = vector.load %arg0[%get3A_733, %get3A_734, %get3A_735] : memref<2x128x2048xf32, #tpu.memory_space<vmem>>, vector<1x32x128xf32>
      %get3A_737 = vector.shape_cast %get3A_736 : vector<1x32x128xf32> to vector<32x128xf32>
      %add3A_738 = arith.addf %mul3A_732, %get3A_737 : vector<32x128xf32>
      %get3A_739 = arith.constant 0 : index
      %get3A_740 = arith.constant 0 : index
      %get3A_741 = arith.constant 0 : index
      %get3A_742 = vector.load %arg13[%get3A_739, %get3A_740, %get3A_741] : memref<2x128x128xf32, #tpu.memory_space<vmem>>, vector<1x32x128xf32>
      %get3A_743 = vector.shape_cast %get3A_742 : vector<1x32x128xf32> to vector<32x128xf32>
      %broadcast_in_dim3A_744 = vector.shape_cast %eq3A_707 : vector<1x128xi1> to vector<1x128xi1>
      %broadcast_in_dim3A_745 = vector.broadcast %broadcast_in_dim3A_744 : vector<1x128xi1> to vector<32x128xi1>
      %select_n3A_746 = arith.select %broadcast_in_dim3A_745, %add3A_738, %get3A_743 : vector<32x128xi1>, vector<32x128xf32>
      %swap3A_747 = arith.constant 0 : index
      %swap3A_748 = arith.constant 0 : index
      %swap3A_749 = arith.constant 0 : index
      %swap3A_750 = vector.load %arg13[%swap3A_747, %swap3A_748, %swap3A_749] : memref<2x128x128xf32, #tpu.memory_space<vmem>>, vector<1x32x128xf32>
      %swap3A_751 = vector.shape_cast %swap3A_750 : vector<1x32x128xf32> to vector<32x128xf32>
      %swap3A_752 = vector.shape_cast %select_n3A_746 : vector<32x128xf32> to vector<1x32x128xf32>
      tpu.vector_store %arg13[%swap3A_747, %swap3A_748, %swap3A_749], %swap3A_752 {strides = array<i32>} : memref<2x128x128xf32, #tpu.memory_space<vmem>>, vector<1x32x128xf32>,
      %get3A_753 = arith.constant 0 : index
      %get3A_754 = arith.constant 32 : index
      %get3A_755 = arith.constant 0 : index
      %get3A_756 = vector.load %arg12[%get3A_753, %get3A_754, %get3A_755] : memref<2x128x2048xf32, #tpu.memory_space<vmem>>, vector<1x32x128xf32>
      %get3A_757 = vector.shape_cast %get3A_756 : vector<1x32x128xf32> to vector<32x128xf32>
      %slice3A_758 = vector.extract_strided_slice %dot_general3A_691 {offsets = [32, 0], sizes = [32, 128], strides = [1, 1]} : vector<128x128xf32> to vector<32x128xf32>
      %slice3A_759 = vector.extract_strided_slice %dot_general3A_701 {offsets = [32, 0], sizes = [32, 128], strides = [1, 1]} : vector<128x128xf32> to vector<32x128xf32>
      %dot_general3A_760 = arith.constant dense<0.000000e+00> : vector<128x128xf32>
      %dot_general3A_761 = tpu.matmul %slice3A_758, %get3A_757, %dot_general3A_760 {dimension_numbers = #tpu.dot_dimension_numbers<[0], [0], [1], [1], [0, 1, 1, 1], [], []>, transpose_lhs_hint = false} : vector<32x128xf32>, vector<32x128xf32>, vector<128x128xf32> -> vector<128x128xf32>
      %reduce_max3A_762 = arith.constant dense<0xFF800000> : vector<128xf32>
      %reduce_max3A_763 = vector.multi_reduction <maximumf>, %dot_general3A_761, %reduce_max3A_762 [0] : vector<128x128xf32> to vector<128xf32>
      %broadcast_in_dim3A_764 = vector.shape_cast %reduce_max3A_763 : vector<128xf32> to vector<1x128xf32>
      %sub3A_765 = vector.broadcast %broadcast_in_dim3A_764 : vector<1x128xf32> to vector<128x128xf32>
      %sub3A_766 = arith.subf %dot_general3A_761, %sub3A_765 : vector<128x128xf32>
      %exp23A_767 = math.exp2 %sub3A_766 : vector<128x128xf32>
      %dot_general3A_768 = arith.constant dense<0.000000e+00> : vector<32x128xf32>
      %dot_general3A_769 = tpu.matmul %slice3A_759, %exp23A_767, %dot_general3A_768 {dimension_numbers = #tpu.dot_dimension_numbers<[1], [0], [0], [1], [0, 0, 1, 1], [], []>, transpose_lhs_hint = false} : vector<32x128xf32>, vector<128x128xf32>, vector<32x128xf32> -> vector<32x128xf32>
      %reduce_sum3A_770 = arith.constant dense<0.000000e+00> : vector<128xf32>
      %reduce_sum3A_771 = vector.multi_reduction <add>, %exp23A_767, %reduce_sum3A_770 [0] : vector<128x128xf32> to vector<128xf32>
      %broadcast_in_dim3A_772 = vector.shape_cast %reduce_sum3A_771 : vector<128xf32> to vector<1x128xf32>
      %div3A_773 = arith.constant 1.000000e+00 : f32
      %div3A_774 = vector.broadcast %div3A_773 : f32 to vector<1x128xf32>
      %div3A_775 = arith.divf %div3A_774, %broadcast_in_dim3A_772 : vector<1x128xf32>
      %mul3A_776 = vector.broadcast %div3A_775 : vector<1x128xf32> to vector<32x128xf32>
      %mul3A_777 = arith.mulf %dot_general3A_769, %mul3A_776 : vector<32x128xf32>
      %get3A_778 = arith.constant 0 : index
      %get3A_779 = arith.constant 32 : index
      %get3A_780 = arith.constant 0 : index
      %get3A_781 = vector.load %arg0[%get3A_778, %get3A_779, %get3A_780] : memref<2x128x2048xf32, #tpu.memory_space<vmem>>, vector<1x32x128xf32>
      %get3A_782 = vector.shape_cast %get3A_781 : vector<1x32x128xf32> to vector<32x128xf32>
      %add3A_783 = arith.addf %mul3A_777, %get3A_782 : vector<32x128xf32>
      %get3A_784 = arith.constant 0 : index
      %get3A_785 = arith.constant 32 : index
      %get3A_786 = arith.constant 0 : index
      %get3A_787 = vector.load %arg13[%get3A_784, %get3A_785, %get3A_786] : memref<2x128x128xf32, #tpu.memory_space<vmem>>, vector<1x32x128xf32>
      %get3A_788 = vector.shape_cast %get3A_787 : vector<1x32x128xf32> to vector<32x128xf32>
      %broadcast_in_dim3A_789 = vector.shape_cast %eq3A_707 : vector<1x128xi1> to vector<1x128xi1>
      %broadcast_in_dim3A_790 = vector.broadcast %broadcast_in_dim3A_789 : vector<1x128xi1> to vector<32x128xi1>
      %select_n3A_791 = arith.select %broadcast_in_dim3A_790, %add3A_783, %get3A_788 : vector<32x128xi1>, vector<32x128xf32>
      %swap3A_792 = arith.constant 0 : index
      %swap3A_793 = arith.constant 32 : index
      %swap3A_794 = arith.constant 0 : index
      %swap3A_795 = vector.load %arg13[%swap3A_792, %swap3A_793, %swap3A_794] : memref<2x128x128xf32, #tpu.memory_space<vmem>>, vector<1x32x128xf32>
      %swap3A_796 = vector.shape_cast %swap3A_795 : vector<1x32x128xf32> to vector<32x128xf32>
      %swap3A_797 = vector.shape_cast %select_n3A_791 : vector<32x128xf32> to vector<1x32x128xf32>
      tpu.vector_store %arg13[%swap3A_792, %swap3A_793, %swap3A_794], %swap3A_797 {strides = array<i32>} : memref<2x128x128xf32, #tpu.memory_space<vmem>>, vector<1x32x128xf32>,
      %get3A_798 = arith.constant 0 : index
      %get3A_799 = arith.constant 64 : index
      %get3A_800 = arith.constant 0 : index
      %get3A_801 = vector.load %arg12[%get3A_798, %get3A_799, %get3A_800] : memref<2x128x2048xf32, #tpu.memory_space<vmem>>, vector<1x32x128xf32>
      %get3A_802 = vector.shape_cast %get3A_801 : vector<1x32x128xf32> to vector<32x128xf32>
      %slice3A_803 = vector.extract_strided_slice %dot_general3A_691 {offsets = [64, 0], sizes = [32, 128], strides = [1, 1]} : vector<128x128xf32> to vector<32x128xf32>
      %slice3A_804 = vector.extract_strided_slice %dot_general3A_701 {offsets = [64, 0], sizes = [32, 128], strides = [1, 1]} : vector<128x128xf32> to vector<32x128xf32>
      %dot_general3A_805 = arith.constant dense<0.000000e+00> : vector<128x128xf32>
      %dot_general3A_806 = tpu.matmul %slice3A_803, %get3A_802, %dot_general3A_805 {dimension_numbers = #tpu.dot_dimension_numbers<[0], [0], [1], [1], [0, 1, 1, 1], [], []>, transpose_lhs_hint = false} : vector<32x128xf32>, vector<32x128xf32>, vector<128x128xf32> -> vector<128x128xf32>
      %reduce_max3A_807 = arith.constant dense<0xFF800000> : vector<128xf32>
      %reduce_max3A_808 = vector.multi_reduction <maximumf>, %dot_general3A_806, %reduce_max3A_807 [0] : vector<128x128xf32> to vector<128xf32>
      %broadcast_in_dim3A_809 = vector.shape_cast %reduce_max3A_808 : vector<128xf32> to vector<1x128xf32>
      %sub3A_810 = vector.broadcast %broadcast_in_dim3A_809 : vector<1x128xf32> to vector<128x128xf32>
      %sub3A_811 = arith.subf %dot_general3A_806, %sub3A_810 : vector<128x128xf32>
      %exp23A_812 = math.exp2 %sub3A_811 : vector<128x128xf32>
      %dot_general3A_813 = arith.constant dense<0.000000e+00> : vector<32x128xf32>
      %dot_general3A_814 = tpu.matmul %slice3A_804, %exp23A_812, %dot_general3A_813 {dimension_numbers = #tpu.dot_dimension_numbers<[1], [0], [0], [1], [0, 0, 1, 1], [], []>, transpose_lhs_hint = false} : vector<32x128xf32>, vector<128x128xf32>, vector<32x128xf32> -> vector<32x128xf32>
      %reduce_sum3A_815 = arith.constant dense<0.000000e+00> : vector<128xf32>
      %reduce_sum3A_816 = vector.multi_reduction <add>, %exp23A_812, %reduce_sum3A_815 [0] : vector<128x128xf32> to vector<128xf32>
      %broadcast_in_dim3A_817 = vector.shape_cast %reduce_sum3A_816 : vector<128xf32> to vector<1x128xf32>
      %div3A_818 = arith.constant 1.000000e+00 : f32
      %div3A_819 = vector.broadcast %div3A_818 : f32 to vector<1x128xf32>
      %div3A_820 = arith.divf %div3A_819, %broadcast_in_dim3A_817 : vector<1x128xf32>
      %mul3A_821 = vector.broadcast %div3A_820 : vector<1x128xf32> to vector<32x128xf32>
      %mul3A_822 = arith.mulf %dot_general3A_814, %mul3A_821 : vector<32x128xf32>
      %get3A_823 = arith.constant 0 : index
      %get3A_824 = arith.constant 64 : index
      %get3A_825 = arith.constant 0 : index
      %get3A_826 = vector.load %arg0[%get3A_823, %get3A_824, %get3A_825] : memref<2x128x2048xf32, #tpu.memory_space<vmem>>, vector<1x32x128xf32>
      %get3A_827 = vector.shape_cast %get3A_826 : vector<1x32x128xf32> to vector<32x128xf32>
      %add3A_828 = arith.addf %mul3A_822, %get3A_827 : vector<32x128xf32>
      %get3A_829 = arith.constant 0 : index
      %get3A_830 = arith.constant 64 : index
      %get3A_831 = arith.constant 0 : index
      %get3A_832 = vector.load %arg13[%get3A_829, %get3A_830, %get3A_831] : memref<2x128x128xf32, #tpu.memory_space<vmem>>, vector<1x32x128xf32>
      %get3A_833 = vector.shape_cast %get3A_832 : vector<1x32x128xf32> to vector<32x128xf32>
      %broadcast_in_dim3A_834 = vector.shape_cast %eq3A_707 : vector<1x128xi1> to vector<1x128xi1>
      %broadcast_in_dim3A_835 = vector.broadcast %broadcast_in_dim3A_834 : vector<1x128xi1> to vector<32x128xi1>
      %select_n3A_836 = arith.select %broadcast_in_dim3A_835, %add3A_828, %get3A_833 : vector<32x128xi1>, vector<32x128xf32>
      %swap3A_837 = arith.constant 0 : index
      %swap3A_838 = arith.constant 64 : index
      %swap3A_839 = arith.constant 0 : index
      %swap3A_840 = vector.load %arg13[%swap3A_837, %swap3A_838, %swap3A_839] : memref<2x128x128xf32, #tpu.memory_space<vmem>>, vector<1x32x128xf32>
      %swap3A_841 = vector.shape_cast %swap3A_840 : vector<1x32x128xf32> to vector<32x128xf32>
      %swap3A_842 = vector.shape_cast %select_n3A_836 : vector<32x128xf32> to vector<1x32x128xf32>
      tpu.vector_store %arg13[%swap3A_837, %swap3A_838, %swap3A_839], %swap3A_842 {strides = array<i32>} : memref<2x128x128xf32, #tpu.memory_space<vmem>>, vector<1x32x128xf32>,
      %get3A_843 = arith.constant 0 : index
      %get3A_844 = arith.constant 96 : index
      %get3A_845 = arith.constant 0 : index
      %get3A_846 = vector.load %arg12[%get3A_843, %get3A_844, %get3A_845] : memref<2x128x2048xf32, #tpu.memory_space<vmem>>, vector<1x32x128xf32>
      %get3A_847 = vector.shape_cast %get3A_846 : vector<1x32x128xf32> to vector<32x128xf32>
      %slice3A_848 = vector.extract_strided_slice %dot_general3A_691 {offsets = [96, 0], sizes = [32, 128], strides = [1, 1]} : vector<128x128xf32> to vector<32x128xf32>
      %slice3A_849 = vector.extract_strided_slice %dot_general3A_701 {offsets = [96, 0], sizes = [32, 128], strides = [1, 1]} : vector<128x128xf32> to vector<32x128xf32>
      %dot_general3A_850 = arith.constant dense<0.000000e+00> : vector<128x128xf32>
      %dot_general3A_851 = tpu.matmul %slice3A_848, %get3A_847, %dot_general3A_850 {dimension_numbers = #tpu.dot_dimension_numbers<[0], [0], [1], [1], [0, 1, 1, 1], [], []>, transpose_lhs_hint = false} : vector<32x128xf32>, vector<32x128xf32>, vector<128x128xf32> -> vector<128x128xf32>
      %reduce_max3A_852 = arith.constant dense<0xFF800000> : vector<128xf32>
      %reduce_max3A_853 = vector.multi_reduction <maximumf>, %dot_general3A_851, %reduce_max3A_852 [0] : vector<128x128xf32> to vector<128xf32>
      %broadcast_in_dim3A_854 = vector.shape_cast %reduce_max3A_853 : vector<128xf32> to vector<1x128xf32>
      %sub3A_855 = vector.broadcast %broadcast_in_dim3A_854 : vector<1x128xf32> to vector<128x128xf32>
      %sub3A_856 = arith.subf %dot_general3A_851, %sub3A_855 : vector<128x128xf32>
      %exp23A_857 = math.exp2 %sub3A_856 : vector<128x128xf32>
      %dot_general3A_858 = arith.constant dense<0.000000e+00> : vector<32x128xf32>
      %dot_general3A_859 = tpu.matmul %slice3A_849, %exp23A_857, %dot_general3A_858 {dimension_numbers = #tpu.dot_dimension_numbers<[1], [0], [0], [1], [0, 0, 1, 1], [], []>, transpose_lhs_hint = false} : vector<32x128xf32>, vector<128x128xf32>, vector<32x128xf32> -> vector<32x128xf32>
      %reduce_sum3A_860 = arith.constant dense<0.000000e+00> : vector<128xf32>
      %reduce_sum3A_861 = vector.multi_reduction <add>, %exp23A_857, %reduce_sum3A_860 [0] : vector<128x128xf32> to vector<128xf32>
      %broadcast_in_dim3A_862 = vector.shape_cast %reduce_sum3A_861 : vector<128xf32> to vector<1x128xf32>
      %div3A_863 = arith.constant 1.000000e+00 : f32
      %div3A_864 = vector.broadcast %div3A_863 : f32 to vector<1x128xf32>
      %div3A_865 = arith.divf %div3A_864, %broadcast_in_dim3A_862 : vector<1x128xf32>
      %mul3A_866 = vector.broadcast %div3A_865 : vector<1x128xf32> to vector<32x128xf32>
      %mul3A_867 = arith.mulf %dot_general3A_859, %mul3A_866 : vector<32x128xf32>
      %get3A_868 = arith.constant 0 : index
      %get3A_869 = arith.constant 96 : index
      %get3A_870 = arith.constant 0 : index
      %get3A_871 = vector.load %arg0[%get3A_868, %get3A_869, %get3A_870] : memref<2x128x2048xf32, #tpu.memory_space<vmem>>, vector<1x32x128xf32>
      %get3A_872 = vector.shape_cast %get3A_871 : vector<1x32x128xf32> to vector<32x128xf32>
      %add3A_873 = arith.addf %mul3A_867, %get3A_872 : vector<32x128xf32>
      %get3A_874 = arith.constant 0 : index
      %get3A_875 = arith.constant 96 : index
      %get3A_876 = arith.constant 0 : index
      %get3A_877 = vector.load %arg13[%get3A_874, %get3A_875, %get3A_876] : memref<2x128x128xf32, #tpu.memory_space<vmem>>, vector<1x32x128xf32>
      %get3A_878 = vector.shape_cast %get3A_877 : vector<1x32x128xf32> to vector<32x128xf32>
      %broadcast_in_dim3A_879 = vector.shape_cast %eq3A_707 : vector<1x128xi1> to vector<1x128xi1>
      %broadcast_in_dim3A_880 = vector.broadcast %broadcast_in_dim3A_879 : vector<1x128xi1> to vector<32x128xi1>
      %select_n3A_881 = arith.select %broadcast_in_dim3A_880, %add3A_873, %get3A_878 : vector<32x128xi1>, vector<32x128xf32>
      %swap3A_882 = arith.constant 0 : index
      %swap3A_883 = arith.constant 96 : index
      %swap3A_884 = arith.constant 0 : index
      %swap3A_885 = vector.load %arg13[%swap3A_882, %swap3A_883, %swap3A_884] : memref<2x128x128xf32, #tpu.memory_space<vmem>>, vector<1x32x128xf32>
      %swap3A_886 = vector.shape_cast %swap3A_885 : vector<1x32x128xf32> to vector<32x128xf32>
      %swap3A_887 = vector.shape_cast %select_n3A_881 : vector<32x128xf32> to vector<1x32x128xf32>
      tpu.vector_store %arg13[%swap3A_882, %swap3A_883, %swap3A_884], %swap3A_887 {strides = array<i32>} : memref<2x128x128xf32, #tpu.memory_space<vmem>>, vector<1x32x128xf32>,
      %get3A_888 = arith.constant 0 : index
      %get3A_889 = arith.constant 0 : index
      %get3A_890 = vector.load %arg4[%get3A_888, %get3A_889] : memref<128x128xf32, #tpu.memory_space<vmem>>, vector<128x128xf32>
      %get3A_891 = arith.constant 1 : index
      %get3A_892 = arith.constant 0 : index
      %get3A_893 = arith.constant 0 : index
      %get3A_894 = vector.load %arg13[%get3A_891, %get3A_892, %get3A_893] : memref<2x128x128xf32, #tpu.memory_space<vmem>>, vector<1x128x128xf32>
      %get3A_895 = vector.shape_cast %get3A_894 : vector<1x128x128xf32> to vector<128x128xf32>
      %dot_general3A_896 = arith.constant dense<0.000000e+00> : vector<128x128xf32>
      %dot_general3A_897 = tpu.matmul %get3A_890, %get3A_895, %dot_general3A_896 {dimension_numbers = #tpu.dot_dimension_numbers<[1], [0], [0], [1], [0, 0, 1, 1], [], []>, transpose_lhs_hint = false} : vector<128x128xf32>, vector<128x128xf32>, vector<128x128xf32> -> vector<128x128xf32>
      %get3A_898 = arith.constant 0 : index
      %get3A_899 = arith.constant 0 : index
      %get3A_900 = vector.load %arg5[%get3A_898, %get3A_899] : memref<128x128xf32, #tpu.memory_space<vmem>>, vector<128x128xf32>
      %get3A_901 = arith.constant 1 : index
      %get3A_902 = arith.constant 0 : index
      %get3A_903 = arith.constant 0 : index
      %get3A_904 = vector.load %arg13[%get3A_901, %get3A_902, %get3A_903] : memref<2x128x128xf32, #tpu.memory_space<vmem>>, vector<1x128x128xf32>
      %get3A_905 = vector.shape_cast %get3A_904 : vector<1x128x128xf32> to vector<128x128xf32>
      %dot_general3A_906 = arith.constant dense<0.000000e+00> : vector<128x128xf32>
      %dot_general3A_907 = tpu.matmul %get3A_900, %get3A_905, %dot_general3A_906 {dimension_numbers = #tpu.dot_dimension_numbers<[1], [0], [0], [1], [0, 0, 1, 1], [], []>, transpose_lhs_hint = false} : vector<128x128xf32>, vector<128x128xf32>, vector<128x128xf32> -> vector<128x128xf32>
      %get3A_908 = arith.constant 1 : index
      %get3A_909 = arith.constant 0 : index
      %get3A_910 = arith.constant 0 : index
      %get3A_911 = vector.load %arg1[%get3A_908, %get3A_909, %get3A_910] : memref<2x1x2048xi32, #tpu.memory_space<vmem>>, vector<1x1x128xi32>
      %get3A_912 = vector.shape_cast %get3A_911 : vector<1x1x128xi32> to vector<1x128xi32>
      %eq3A_913 = vector.broadcast %while3A_681 : i32 to vector<1x128xi32>
      %eq3A_914 = arith.cmpi eq, %get3A_912, %eq3A_913 : vector<1x128xi32>
      %get3A_915 = arith.constant 1 : index
      %get3A_916 = arith.constant 0 : index
      %get3A_917 = arith.constant 0 : index
      %get3A_918 = vector.load %arg12[%get3A_915, %get3A_916, %get3A_917] : memref<2x128x2048xf32, #tpu.memory_space<vmem>>, vector<1x32x128xf32>
      %get3A_919 = vector.shape_cast %get3A_918 : vector<1x32x128xf32> to vector<32x128xf32>
      %slice3A_920 = vector.extract_strided_slice %dot_general3A_897 {offsets = [0, 0], sizes = [32, 128], strides = [1, 1]} : vector<128x128xf32> to vector<32x128xf32>
      %slice3A_921 = vector.extract_strided_slice %dot_general3A_907 {offsets = [0, 0], sizes = [32, 128], strides = [1, 1]} : vector<128x128xf32> to vector<32x128xf32>
      %dot_general3A_922 = arith.constant dense<0.000000e+00> : vector<128x128xf32>
      %dot_general3A_923 = tpu.matmul %slice3A_920, %get3A_919, %dot_general3A_922 {dimension_numbers = #tpu.dot_dimension_numbers<[0], [0], [1], [1], [0, 1, 1, 1], [], []>, transpose_lhs_hint = false} : vector<32x128xf32>, vector<32x128xf32>, vector<128x128xf32> -> vector<128x128xf32>
      %reduce_max3A_924 = arith.constant dense<0xFF800000> : vector<128xf32>
      %reduce_max3A_925 = vector.multi_reduction <maximumf>, %dot_general3A_923, %reduce_max3A_924 [0] : vector<128x128xf32> to vector<128xf32>
      %broadcast_in_dim3A_926 = vector.shape_cast %reduce_max3A_925 : vector<128xf32> to vector<1x128xf32>
      %sub3A_927 = vector.broadcast %broadcast_in_dim3A_926 : vector<1x128xf32> to vector<128x128xf32>
      %sub3A_928 = arith.subf %dot_general3A_923, %sub3A_927 : vector<128x128xf32>
      %exp23A_929 = math.exp2 %sub3A_928 : vector<128x128xf32>
      %dot_general3A_930 = arith.constant dense<0.000000e+00> : vector<32x128xf32>
      %dot_general3A_931 = tpu.matmul %slice3A_921, %exp23A_929, %dot_general3A_930 {dimension_numbers = #tpu.dot_dimension_numbers<[1], [0], [0], [1], [0, 0, 1, 1], [], []>, transpose_lhs_hint = false} : vector<32x128xf32>, vector<128x128xf32>, vector<32x128xf32> -> vector<32x128xf32>
      %reduce_sum3A_932 = arith.constant dense<0.000000e+00> : vector<128xf32>
      %reduce_sum3A_933 = vector.multi_reduction <add>, %exp23A_929, %reduce_sum3A_932 [0] : vector<128x128xf32> to vector<128xf32>
      %broadcast_in_dim3A_934 = vector.shape_cast %reduce_sum3A_933 : vector<128xf32> to vector<1x128xf32>
      %div3A_935 = arith.constant 1.000000e+00 : f32
      %div3A_936 = vector.broadcast %div3A_935 : f32 to vector<1x128xf32>
      %div3A_937 = arith.divf %div3A_936, %broadcast_in_dim3A_934 : vector<1x128xf32>
      %mul3A_938 = vector.broadcast %div3A_937 : vector<1x128xf32> to vector<32x128xf32>
      %mul3A_939 = arith.mulf %dot_general3A_931, %mul3A_938 : vector<32x128xf32>
      %get3A_940 = arith.constant 1 : index
      %get3A_941 = arith.constant 0 : index
      %get3A_942 = arith.constant 0 : index
      %get3A_943 = vector.load %arg0[%get3A_940, %get3A_941, %get3A_942] : memref<2x128x2048xf32, #tpu.memory_space<vmem>>, vector<1x32x128xf32>
      %get3A_944 = vector.shape_cast %get3A_943 : vector<1x32x128xf32> to vector<32x128xf32>
      %add3A_945 = arith.addf %mul3A_939, %get3A_944 : vector<32x128xf32>
      %get3A_946 = arith.constant 1 : index
      %get3A_947 = arith.constant 0 : index
      %get3A_948 = arith.constant 0 : index
      %get3A_949 = vector.load %arg13[%get3A_946, %get3A_947, %get3A_948] : memref<2x128x128xf32, #tpu.memory_space<vmem>>, vector<1x32x128xf32>
      %get3A_950 = vector.shape_cast %get3A_949 : vector<1x32x128xf32> to vector<32x128xf32>
      %broadcast_in_dim3A_951 = vector.shape_cast %eq3A_914 : vector<1x128xi1> to vector<1x128xi1>
      %broadcast_in_dim3A_952 = vector.broadcast %broadcast_in_dim3A_951 : vector<1x128xi1> to vector<32x128xi1>
      %select_n3A_953 = arith.select %broadcast_in_dim3A_952, %add3A_945, %get3A_950 : vector<32x128xi1>, vector<32x128xf32>
      %swap3A_954 = arith.constant 1 : index
      %swap3A_955 = arith.constant 0 : index
      %swap3A_956 = arith.constant 0 : index
      %swap3A_957 = vector.load %arg13[%swap3A_954, %swap3A_955, %swap3A_956] : memref<2x128x128xf32, #tpu.memory_space<vmem>>, vector<1x32x128xf32>
      %swap3A_958 = vector.shape_cast %swap3A_957 : vector<1x32x128xf32> to vector<32x128xf32>
      %swap3A_959 = vector.shape_cast %select_n3A_953 : vector<32x128xf32> to vector<1x32x128xf32>
      tpu.vector_store %arg13[%swap3A_954, %swap3A_955, %swap3A_956], %swap3A_959 {strides = array<i32>} : memref<2x128x128xf32, #tpu.memory_space<vmem>>, vector<1x32x128xf32>,
      %get3A_960 = arith.constant 1 : index
      %get3A_961 = arith.constant 32 : index
      %get3A_962 = arith.constant 0 : index
      %get3A_963 = vector.load %arg12[%get3A_960, %get3A_961, %get3A_962] : memref<2x128x2048xf32, #tpu.memory_space<vmem>>, vector<1x32x128xf32>
      %get3A_964 = vector.shape_cast %get3A_963 : vector<1x32x128xf32> to vector<32x128xf32>
      %slice3A_965 = vector.extract_strided_slice %dot_general3A_897 {offsets = [32, 0], sizes = [32, 128], strides = [1, 1]} : vector<128x128xf32> to vector<32x128xf32>
      %slice3A_966 = vector.extract_strided_slice %dot_general3A_907 {offsets = [32, 0], sizes = [32, 128], strides = [1, 1]} : vector<128x128xf32> to vector<32x128xf32>
      %dot_general3A_967 = arith.constant dense<0.000000e+00> : vector<128x128xf32>
      %dot_general3A_968 = tpu.matmul %slice3A_965, %get3A_964, %dot_general3A_967 {dimension_numbers = #tpu.dot_dimension_numbers<[0], [0], [1], [1], [0, 1, 1, 1], [], []>, transpose_lhs_hint = false} : vector<32x128xf32>, vector<32x128xf32>, vector<128x128xf32> -> vector<128x128xf32>
      %reduce_max3A_969 = arith.constant dense<0xFF800000> : vector<128xf32>
      %reduce_max3A_970 = vector.multi_reduction <maximumf>, %dot_general3A_968, %reduce_max3A_969 [0] : vector<128x128xf32> to vector<128xf32>
      %broadcast_in_dim3A_971 = vector.shape_cast %reduce_max3A_970 : vector<128xf32> to vector<1x128xf32>
      %sub3A_972 = vector.broadcast %broadcast_in_dim3A_971 : vector<1x128xf32> to vector<128x128xf32>
      %sub3A_973 = arith.subf %dot_general3A_968, %sub3A_972 : vector<128x128xf32>
      %exp23A_974 = math.exp2 %sub3A_973 : vector<128x128xf32>
      %dot_general3A_975 = arith.constant dense<0.000000e+00> : vector<32x128xf32>
      %dot_general3A_976 = tpu.matmul %slice3A_966, %exp23A_974, %dot_general3A_975 {dimension_numbers = #tpu.dot_dimension_numbers<[1], [0], [0], [1], [0, 0, 1, 1], [], []>, transpose_lhs_hint = false} : vector<32x128xf32>, vector<128x128xf32>, vector<32x128xf32> -> vector<32x128xf32>
      %reduce_sum3A_977 = arith.constant dense<0.000000e+00> : vector<128xf32>
      %reduce_sum3A_978 = vector.multi_reduction <add>, %exp23A_974, %reduce_sum3A_977 [0] : vector<128x128xf32> to vector<128xf32>
      %broadcast_in_dim3A_979 = vector.shape_cast %reduce_sum3A_978 : vector<128xf32> to vector<1x128xf32>
      %div3A_980 = arith.constant 1.000000e+00 : f32
      %div3A_981 = vector.broadcast %div3A_980 : f32 to vector<1x128xf32>
      %div3A_982 = arith.divf %div3A_981, %broadcast_in_dim3A_979 : vector<1x128xf32>
      %mul3A_983 = vector.broadcast %div3A_982 : vector<1x128xf32> to vector<32x128xf32>
      %mul3A_984 = arith.mulf %dot_general3A_976, %mul3A_983 : vector<32x128xf32>
      %get3A_985 = arith.constant 1 : index
      %get3A_986 = arith.constant 32 : index
      %get3A_987 = arith.constant 0 : index
      %get3A_988 = vector.load %arg0[%get3A_985, %get3A_986, %get3A_987] : memref<2x128x2048xf32, #tpu.memory_space<vmem>>, vector<1x32x128xf32>
      %get3A_989 = vector.shape_cast %get3A_988 : vector<1x32x128xf32> to vector<32x128xf32>
      %add3A_990 = arith.addf %mul3A_984, %get3A_989 : vector<32x128xf32>
      %get3A_991 = arith.constant 1 : index
      %get3A_992 = arith.constant 32 : index
      %get3A_993 = arith.constant 0 : index
      %get3A_994 = vector.load %arg13[%get3A_991, %get3A_992, %get3A_993] : memref<2x128x128xf32, #tpu.memory_space<vmem>>, vector<1x32x128xf32>
      %get3A_995 = vector.shape_cast %get3A_994 : vector<1x32x128xf32> to vector<32x128xf32>
      %broadcast_in_dim3A_996 = vector.shape_cast %eq3A_914 : vector<1x128xi1> to vector<1x128xi1>
      %broadcast_in_dim3A_997 = vector.broadcast %broadcast_in_dim3A_996 : vector<1x128xi1> to vector<32x128xi1>
      %select_n3A_998 = arith.select %broadcast_in_dim3A_997, %add3A_990, %get3A_995 : vector<32x128xi1>, vector<32x128xf32>
      %swap3A_999 = arith.constant 1 : index
      %swap3A_1000 = arith.constant 32 : index
      %swap3A_1001 = arith.constant 0 : index
      %swap3A_1002 = vector.load %arg13[%swap3A_999, %swap3A_1000, %swap3A_1001] : memref<2x128x128xf32, #tpu.memory_space<vmem>>, vector<1x32x128xf32>
      %swap3A_1003 = vector.shape_cast %swap3A_1002 : vector<1x32x128xf32> to vector<32x128xf32>
      %swap3A_1004 = vector.shape_cast %select_n3A_998 : vector<32x128xf32> to vector<1x32x128xf32>
      tpu.vector_store %arg13[%swap3A_999, %swap3A_1000, %swap3A_1001], %swap3A_1004 {strides = array<i32>} : memref<2x128x128xf32, #tpu.memory_space<vmem>>, vector<1x32x128xf32>,
      %get3A_1005 = arith.constant 1 : index
      %get3A_1006 = arith.constant 64 : index
      %get3A_1007 = arith.constant 0 : index
      %get3A_1008 = vector.load %arg12[%get3A_1005, %get3A_1006, %get3A_1007] : memref<2x128x2048xf32, #tpu.memory_space<vmem>>, vector<1x32x128xf32>
      %get3A_1009 = vector.shape_cast %get3A_1008 : vector<1x32x128xf32> to vector<32x128xf32>
      %slice3A_1010 = vector.extract_strided_slice %dot_general3A_897 {offsets = [64, 0], sizes = [32, 128], strides = [1, 1]} : vector<128x128xf32> to vector<32x128xf32>
      %slice3A_1011 = vector.extract_strided_slice %dot_general3A_907 {offsets = [64, 0], sizes = [32, 128], strides = [1, 1]} : vector<128x128xf32> to vector<32x128xf32>
      %dot_general3A_1012 = arith.constant dense<0.000000e+00> : vector<128x128xf32>
      %dot_general3A_1013 = tpu.matmul %slice3A_1010, %get3A_1009, %dot_general3A_1012 {dimension_numbers = #tpu.dot_dimension_numbers<[0], [0], [1], [1], [0, 1, 1, 1], [], []>, transpose_lhs_hint = false} : vector<32x128xf32>, vector<32x128xf32>, vector<128x128xf32> -> vector<128x128xf32>
      %reduce_max3A_1014 = arith.constant dense<0xFF800000> : vector<128xf32>
      %reduce_max3A_1015 = vector.multi_reduction <maximumf>, %dot_general3A_1013, %reduce_max3A_1014 [0] : vector<128x128xf32> to vector<128xf32>
      %broadcast_in_dim3A_1016 = vector.shape_cast %reduce_max3A_1015 : vector<128xf32> to vector<1x128xf32>
      %sub3A_1017 = vector.broadcast %broadcast_in_dim3A_1016 : vector<1x128xf32> to vector<128x128xf32>
      %sub3A_1018 = arith.subf %dot_general3A_1013, %sub3A_1017 : vector<128x128xf32>
      %exp23A_1019 = math.exp2 %sub3A_1018 : vector<128x128xf32>
      %dot_general3A_1020 = arith.constant dense<0.000000e+00> : vector<32x128xf32>
      %dot_general3A_1021 = tpu.matmul %slice3A_1011, %exp23A_1019, %dot_general3A_1020 {dimension_numbers = #tpu.dot_dimension_numbers<[1], [0], [0], [1], [0, 0, 1, 1], [], []>, transpose_lhs_hint = false} : vector<32x128xf32>, vector<128x128xf32>, vector<32x128xf32> -> vector<32x128xf32>
      %reduce_sum3A_1022 = arith.constant dense<0.000000e+00> : vector<128xf32>
      %reduce_sum3A_1023 = vector.multi_reduction <add>, %exp23A_1019, %reduce_sum3A_1022 [0] : vector<128x128xf32> to vector<128xf32>
      %broadcast_in_dim3A_1024 = vector.shape_cast %reduce_sum3A_1023 : vector<128xf32> to vector<1x128xf32>
      %div3A_1025 = arith.constant 1.000000e+00 : f32
      %div3A_1026 = vector.broadcast %div3A_1025 : f32 to vector<1x128xf32>
      %div3A_1027 = arith.divf %div3A_1026, %broadcast_in_dim3A_1024 : vector<1x128xf32>
      %mul3A_1028 = vector.broadcast %div3A_1027 : vector<1x128xf32> to vector<32x128xf32>
      %mul3A_1029 = arith.mulf %dot_general3A_1021, %mul3A_1028 : vector<32x128xf32>
      %get3A_1030 = arith.constant 1 : index
      %get3A_1031 = arith.constant 64 : index
      %get3A_1032 = arith.constant 0 : index
      %get3A_1033 = vector.load %arg0[%get3A_1030, %get3A_1031, %get3A_1032] : memref<2x128x2048xf32, #tpu.memory_space<vmem>>, vector<1x32x128xf32>
      %get3A_1034 = vector.shape_cast %get3A_1033 : vector<1x32x128xf32> to vector<32x128xf32>
      %add3A_1035 = arith.addf %mul3A_1029, %get3A_1034 : vector<32x128xf32>
      %get3A_1036 = arith.constant 1 : index
      %get3A_1037 = arith.constant 64 : index
      %get3A_1038 = arith.constant 0 : index
      %get3A_1039 = vector.load %arg13[%get3A_1036, %get3A_1037, %get3A_1038] : memref<2x128x128xf32, #tpu.memory_space<vmem>>, vector<1x32x128xf32>
      %get3A_1040 = vector.shape_cast %get3A_1039 : vector<1x32x128xf32> to vector<32x128xf32>
      %broadcast_in_dim3A_1041 = vector.shape_cast %eq3A_914 : vector<1x128xi1> to vector<1x128xi1>
      %broadcast_in_dim3A_1042 = vector.broadcast %broadcast_in_dim3A_1041 : vector<1x128xi1> to vector<32x128xi1>
      %select_n3A_1043 = arith.select %broadcast_in_dim3A_1042, %add3A_1035, %get3A_1040 : vector<32x128xi1>, vector<32x128xf32>
      %swap3A_1044 = arith.constant 1 : index
      %swap3A_1045 = arith.constant 64 : index
      %swap3A_1046 = arith.constant 0 : index
      %swap3A_1047 = vector.load %arg13[%swap3A_1044, %swap3A_1045, %swap3A_1046] : memref<2x128x128xf32, #tpu.memory_space<vmem>>, vector<1x32x128xf32>
      %swap3A_1048 = vector.shape_cast %swap3A_1047 : vector<1x32x128xf32> to vector<32x128xf32>
      %swap3A_1049 = vector.shape_cast %select_n3A_1043 : vector<32x128xf32> to vector<1x32x128xf32>
      tpu.vector_store %arg13[%swap3A_1044, %swap3A_1045, %swap3A_1046], %swap3A_1049 {strides = array<i32>} : memref<2x128x128xf32, #tpu.memory_space<vmem>>, vector<1x32x128xf32>,
      %get3A_1050 = arith.constant 1 : index
      %get3A_1051 = arith.constant 96 : index
      %get3A_1052 = arith.constant 0 : index
      %get3A_1053 = vector.load %arg12[%get3A_1050, %get3A_1051, %get3A_1052] : memref<2x128x2048xf32, #tpu.memory_space<vmem>>, vector<1x32x128xf32>
      %get3A_1054 = vector.shape_cast %get3A_1053 : vector<1x32x128xf32> to vector<32x128xf32>
      %slice3A_1055 = vector.extract_strided_slice %dot_general3A_897 {offsets = [96, 0], sizes = [32, 128], strides = [1, 1]} : vector<128x128xf32> to vector<32x128xf32>
      %slice3A_1056 = vector.extract_strided_slice %dot_general3A_907 {offsets = [96, 0], sizes = [32, 128], strides = [1, 1]} : vector<128x128xf32> to vector<32x128xf32>
      %dot_general3A_1057 = arith.constant dense<0.000000e+00> : vector<128x128xf32>
      %dot_general3A_1058 = tpu.matmul %slice3A_1055, %get3A_1054, %dot_general3A_1057 {dimension_numbers = #tpu.dot_dimension_numbers<[0], [0], [1], [1], [0, 1, 1, 1], [], []>, transpose_lhs_hint = false} : vector<32x128xf32>, vector<32x128xf32>, vector<128x128xf32> -> vector<128x128xf32>
      %reduce_max3A_1059 = arith.constant dense<0xFF800000> : vector<128xf32>
      %reduce_max3A_1060 = vector.multi_reduction <maximumf>, %dot_general3A_1058, %reduce_max3A_1059 [0] : vector<128x128xf32> to vector<128xf32>
      %broadcast_in_dim3A_1061 = vector.shape_cast %reduce_max3A_1060 : vector<128xf32> to vector<1x128xf32>
      %sub3A_1062 = vector.broadcast %broadcast_in_dim3A_1061 : vector<1x128xf32> to vector<128x128xf32>
      %sub3A_1063 = arith.subf %dot_general3A_1058, %sub3A_1062 : vector<128x128xf32>
      %exp23A_1064 = math.exp2 %sub3A_1063 : vector<128x128xf32>
      %dot_general3A_1065 = arith.constant dense<0.000000e+00> : vector<32x128xf32>
      %dot_general3A_1066 = tpu.matmul %slice3A_1056, %exp23A_1064, %dot_general3A_1065 {dimension_numbers = #tpu.dot_dimension_numbers<[1], [0], [0], [1], [0, 0, 1, 1], [], []>, transpose_lhs_hint = false} : vector<32x128xf32>, vector<128x128xf32>, vector<32x128xf32> -> vector<32x128xf32>
      %reduce_sum3A_1067 = arith.constant dense<0.000000e+00> : vector<128xf32>
      %reduce_sum3A_1068 = vector.multi_reduction <add>, %exp23A_1064, %reduce_sum3A_1067 [0] : vector<128x128xf32> to vector<128xf32>
      %broadcast_in_dim3A_1069 = vector.shape_cast %reduce_sum3A_1068 : vector<128xf32> to vector<1x128xf32>
      %div3A_1070 = arith.constant 1.000000e+00 : f32
      %div3A_1071 = vector.broadcast %div3A_1070 : f32 to vector<1x128xf32>
      %div3A_1072 = arith.divf %div3A_1071, %broadcast_in_dim3A_1069 : vector<1x128xf32>
      %mul3A_1073 = vector.broadcast %div3A_1072 : vector<1x128xf32> to vector<32x128xf32>
      %mul3A_1074 = arith.mulf %dot_general3A_1066, %mul3A_1073 : vector<32x128xf32>
      %get3A_1075 = arith.constant 1 : index
      %get3A_1076 = arith.constant 96 : index
      %get3A_1077 = arith.constant 0 : index
      %get3A_1078 = vector.load %arg0[%get3A_1075, %get3A_1076, %get3A_1077] : memref<2x128x2048xf32, #tpu.memory_space<vmem>>, vector<1x32x128xf32>
      %get3A_1079 = vector.shape_cast %get3A_1078 : vector<1x32x128xf32> to vector<32x128xf32>
      %add3A_1080 = arith.addf %mul3A_1074, %get3A_1079 : vector<32x128xf32>
      %get3A_1081 = arith.constant 1 : index
      %get3A_1082 = arith.constant 96 : index
      %get3A_1083 = arith.constant 0 : index
      %get3A_1084 = vector.load %arg13[%get3A_1081, %get3A_1082, %get3A_1083] : memref<2x128x128xf32, #tpu.memory_space<vmem>>, vector<1x32x128xf32>
      %get3A_1085 = vector.shape_cast %get3A_1084 : vector<1x32x128xf32> to vector<32x128xf32>
      %broadcast_in_dim3A_1086 = vector.shape_cast %eq3A_914 : vector<1x128xi1> to vector<1x128xi1>
      %broadcast_in_dim3A_1087 = vector.broadcast %broadcast_in_dim3A_1086 : vector<1x128xi1> to vector<32x128xi1>
      %select_n3A_1088 = arith.select %broadcast_in_dim3A_1087, %add3A_1080, %get3A_1085 : vector<32x128xi1>, vector<32x128xf32>
      %swap3A_1089 = arith.constant 1 : index
      %swap3A_1090 = arith.constant 96 : index
      %swap3A_1091 = arith.constant 0 : index
      %swap3A_1092 = vector.load %arg13[%swap3A_1089, %swap3A_1090, %swap3A_1091] : memref<2x128x128xf32, #tpu.memory_space<vmem>>, vector<1x32x128xf32>
      %swap3A_1093 = vector.shape_cast %swap3A_1092 : vector<1x32x128xf32> to vector<32x128xf32>
      %swap3A_1094 = vector.shape_cast %select_n3A_1088 : vector<32x128xf32> to vector<1x32x128xf32>
      tpu.vector_store %arg13[%swap3A_1089, %swap3A_1090, %swap3A_1091], %swap3A_1094 {strides = array<i32>} : memref<2x128x128xf32, #tpu.memory_space<vmem>>, vector<1x32x128xf32>,
    }
    %while3A_75 = arith.constant 1 : i32
    scf.for %while3A_681 = %while3A_73 to %while3A_69 step %while3A_75  : i32 {
      %get3A_682 = arith.constant 0 : index
      %get3A_683 = arith.constant 0 : index
      %get3A_684 = vector.load %arg4[%get3A_682, %get3A_683] : memref<128x128xf32, #tpu.memory_space<vmem>>, vector<128x128xf32>
      %get3A_685 = arith.constant 0 : index
      %get3A_686 = arith.constant 0 : index
      %get3A_687 = arith.constant 0 : index
      %get3A_688 = vector.load %arg13[%get3A_685, %get3A_686, %get3A_687] : memref<2x128x128xf32, #tpu.memory_space<vmem>>, vector<1x128x128xf32>
      %get3A_689 = vector.shape_cast %get3A_688 : vector<1x128x128xf32> to vector<128x128xf32>
      %dot_general3A_690 = arith.constant dense<0.000000e+00> : vector<128x128xf32>
      %dot_general3A_691 = tpu.matmul %get3A_684, %get3A_689, %dot_general3A_690 {dimension_numbers = #tpu.dot_dimension_numbers<[1], [0], [0], [1], [0, 0, 1, 1], [], []>, transpose_lhs_hint = false} : vector<128x128xf32>, vector<128x128xf32>, vector<128x128xf32> -> vector<128x128xf32>
      %get3A_692 = arith.constant 0 : index
      %get3A_693 = arith.constant 0 : index
      %get3A_694 = vector.load %arg5[%get3A_692, %get3A_693] : memref<128x128xf32, #tpu.memory_space<vmem>>, vector<128x128xf32>
      %get3A_695 = arith.constant 0 : index
      %get3A_696 = arith.constant 0 : index
      %get3A_697 = arith.constant 0 : index
      %get3A_698 = vector.load %arg13[%get3A_695, %get3A_696, %get3A_697] : memref<2x128x128xf32, #tpu.memory_space<vmem>>, vector<1x128x128xf32>
      %get3A_699 = vector.shape_cast %get3A_698 : vector<1x128x128xf32> to vector<128x128xf32>
      %dot_general3A_700 = arith.constant dense<0.000000e+00> : vector<128x128xf32>
      %dot_general3A_701 = tpu.matmul %get3A_694, %get3A_699, %dot_general3A_700 {dimension_numbers = #tpu.dot_dimension_numbers<[1], [0], [0], [1], [0, 0, 1, 1], [], []>, transpose_lhs_hint = false} : vector<128x128xf32>, vector<128x128xf32>, vector<128x128xf32> -> vector<128x128xf32>
      %get3A_702 = arith.constant 0 : index
      %get3A_703 = arith.constant 0 : index
      %get3A_704 = arith.constant 0 : index
      %get3A_705 = vector.load %arg1[%get3A_702, %get3A_703, %get3A_704] : memref<2x1x2048xi32, #tpu.memory_space<vmem>>, vector<1x1x128xi32>
      %get3A_706 = vector.shape_cast %get3A_705 : vector<1x1x128xi32> to vector<1x128xi32>
      %eq3A = vector.broadcast %while3A_681 : i32 to vector<1x128xi32>
      %eq3A_707 = arith.cmpi eq, %get3A_706, %eq3A : vector<1x128xi32>
      %get3A_708 = arith.constant 0 : index
      %get3A_709 = arith.constant 0 : index
      %get3A_710 = arith.constant 0 : index
      %get3A_711 = vector.load %arg12[%get3A_708, %get3A_709, %get3A_710] : memref<2x128x2048xf32, #tpu.memory_space<vmem>>, vector<1x32x128xf32>
      %get3A_712 = vector.shape_cast %get3A_711 : vector<1x32x128xf32> to vector<32x128xf32>
      %slice3A_713 = vector.extract_strided_slice %dot_general3A_691 {offsets = [0, 0], sizes = [32, 128], strides = [1, 1]} : vector<128x128xf32> to vector<32x128xf32>
      %slice3A_714 = vector.extract_strided_slice %dot_general3A_701 {offsets = [0, 0], sizes = [32, 128], strides = [1, 1]} : vector<128x128xf32> to vector<32x128xf32>
      %dot_general3A_715 = arith.constant dense<0.000000e+00> : vector<128x128xf32>
      %dot_general3A_716 = tpu.matmul %slice3A_713, %get3A_712, %dot_general3A_715 {dimension_numbers = #tpu.dot_dimension_numbers<[0], [0], [1], [1], [0, 1, 1, 1], [], []>, transpose_lhs_hint = false} : vector<32x128xf32>, vector<32x128xf32>, vector<128x128xf32> -> vector<128x128xf32>
      %reduce_max3A_717 = arith.constant dense<0xFF800000> : vector<128xf32>
      %reduce_max3A_718 = vector.multi_reduction <maximumf>, %dot_general3A_716, %reduce_max3A_717 [0] : vector<128x128xf32> to vector<128xf32>
      %broadcast_in_dim3A_719 = vector.shape_cast %reduce_max3A_718 : vector<128xf32> to vector<1x128xf32>
      %sub3A_720 = vector.broadcast %broadcast_in_dim3A_719 : vector<1x128xf32> to vector<128x128xf32>
      %sub3A_721 = arith.subf %dot_general3A_716, %sub3A_720 : vector<128x128xf32>
      %exp23A_722 = math.exp2 %sub3A_721 : vector<128x128xf32>
      %dot_general3A_723 = arith.constant dense<0.000000e+00> : vector<32x128xf32>
      %dot_general3A_724 = tpu.matmul %slice3A_714, %exp23A_722, %dot_general3A_723 {dimension_numbers = #tpu.dot_dimension_numbers<[1], [0], [0], [1], [0, 0, 1, 1], [], []>, transpose_lhs_hint = false} : vector<32x128xf32>, vector<128x128xf32>, vector<32x128xf32> -> vector<32x128xf32>
      %reduce_sum3A_725 = arith.constant dense<0.000000e+00> : vector<128xf32>
      %reduce_sum3A_726 = vector.multi_reduction <add>, %exp23A_722, %reduce_sum3A_725 [0] : vector<128x128xf32> to vector<128xf32>
      %broadcast_in_dim3A_727 = vector.shape_cast %reduce_sum3A_726 : vector<128xf32> to vector<1x128xf32>
      %div3A_728 = arith.constant 1.000000e+00 : f32
      %div3A_729 = vector.broadcast %div3A_728 : f32 to vector<1x128xf32>
      %div3A_730 = arith.divf %div3A_729, %broadcast_in_dim3A_727 : vector<1x128xf32>
      %mul3A_731 = vector.broadcast %div3A_730 : vector<1x128xf32> to vector<32x128xf32>
      %mul3A_732 = arith.mulf %dot_general3A_724, %mul3A_731 : vector<32x128xf32>
      %get3A_733 = arith.constant 0 : index
      %get3A_734 = arith.constant 0 : index
      %get3A_735 = arith.constant 0 : index
      %get3A_736 = vector.load %arg0[%get3A_733, %get3A_734, %get3A_735] : memref<2x128x2048xf32, #tpu.memory_space<vmem>>, vector<1x32x128xf32>
      %get3A_737 = vector.shape_cast %get3A_736 : vector<1x32x128xf32> to vector<32x128xf32>
      %add3A_738 = arith.addf %mul3A_732, %get3A_737 : vector<32x128xf32>
      %get3A_739 = arith.constant 0 : index
      %get3A_740 = arith.constant 0 : index
      %get3A_741 = arith.constant 0 : index
      %get3A_742 = vector.load %arg13[%get3A_739, %get3A_740, %get3A_741] : memref<2x128x128xf32, #tpu.memory_space<vmem>>, vector<1x32x128xf32>
      %get3A_743 = vector.shape_cast %get3A_742 : vector<1x32x128xf32> to vector<32x128xf32>
      %broadcast_in_dim3A_744 = vector.shape_cast %eq3A_707 : vector<1x128xi1> to vector<1x128xi1>
      %broadcast_in_dim3A_745 = vector.broadcast %broadcast_in_dim3A_744 : vector<1x128xi1> to vector<32x128xi1>
      %select_n3A_746 = arith.select %broadcast_in_dim3A_745, %add3A_738, %get3A_743 : vector<32x128xi1>, vector<32x128xf32>
      %swap3A_747 = arith.constant 0 : index
      %swap3A_748 = arith.constant 0 : index
      %swap3A_749 = arith.constant 0 : index
      %swap3A_750 = vector.load %arg13[%swap3A_747, %swap3A_748, %swap3A_749] : memref<2x128x128xf32, #tpu.memory_space<vmem>>, vector<1x32x128xf32>
      %swap3A_751 = vector.shape_cast %swap3A_750 : vector<1x32x128xf32> to vector<32x128xf32>
      %swap3A_752 = vector.shape_cast %select_n3A_746 : vector<32x128xf32> to vector<1x32x128xf32>
      tpu.vector_store %arg13[%swap3A_747, %swap3A_748, %swap3A_749], %swap3A_752 {strides = array<i32>} : memref<2x128x128xf32, #tpu.memory_space<vmem>>, vector<1x32x128xf32>,
      %get3A_753 = arith.constant 0 : index
      %get3A_754 = arith.constant 32 : index
      %get3A_755 = arith.constant 0 : index
      %get3A_756 = vector.load %arg12[%get3A_753, %get3A_754, %get3A_755] : memref<2x128x2048xf32, #tpu.memory_space<vmem>>, vector<1x32x128xf32>
      %get3A_757 = vector.shape_cast %get3A_756 : vector<1x32x128xf32> to vector<32x128xf32>
      %slice3A_758 = vector.extract_strided_slice %dot_general3A_691 {offsets = [32, 0], sizes = [32, 128], strides = [1, 1]} : vector<128x128xf32> to vector<32x128xf32>
      %slice3A_759 = vector.extract_strided_slice %dot_general3A_701 {offsets = [32, 0], sizes = [32, 128], strides = [1, 1]} : vector<128x128xf32> to vector<32x128xf32>
      %dot_general3A_760 = arith.constant dense<0.000000e+00> : vector<128x128xf32>
      %dot_general3A_761 = tpu.matmul %slice3A_758, %get3A_757, %dot_general3A_760 {dimension_numbers = #tpu.dot_dimension_numbers<[0], [0], [1], [1], [0, 1, 1, 1], [], []>, transpose_lhs_hint = false} : vector<32x128xf32>, vector<32x128xf32>, vector<128x128xf32> -> vector<128x128xf32>
      %reduce_max3A_762 = arith.constant dense<0xFF800000> : vector<128xf32>
      %reduce_max3A_763 = vector.multi_reduction <maximumf>, %dot_general3A_761, %reduce_max3A_762 [0] : vector<128x128xf32> to vector<128xf32>
      %broadcast_in_dim3A_764 = vector.shape_cast %reduce_max3A_763 : vector<128xf32> to vector<1x128xf32>
      %sub3A_765 = vector.broadcast %broadcast_in_dim3A_764 : vector<1x128xf32> to vector<128x128xf32>
      %sub3A_766 = arith.subf %dot_general3A_761, %sub3A_765 : vector<128x128xf32>
      %exp23A_767 = math.exp2 %sub3A_766 : vector<128x128xf32>
      %dot_general3A_768 = arith.constant dense<0.000000e+00> : vector<32x128xf32>
      %dot_general3A_769 = tpu.matmul %slice3A_759, %exp23A_767, %dot_general3A_768 {dimension_numbers = #tpu.dot_dimension_numbers<[1], [0], [0], [1], [0, 0, 1, 1], [], []>, transpose_lhs_hint = false} : vector<32x128xf32>, vector<128x128xf32>, vector<32x128xf32> -> vector<32x128xf32>
      %reduce_sum3A_770 = arith.constant dense<0.000000e+00> : vector<128xf32>
      %reduce_sum3A_771 = vector.multi_reduction <add>, %exp23A_767, %reduce_sum3A_770 [0] : vector<128x128xf32> to vector<128xf32>
      %broadcast_in_dim3A_772 = vector.shape_cast %reduce_sum3A_771 : vector<128xf32> to vector<1x128xf32>
      %div3A_773 = arith.constant 1.000000e+00 : f32
      %div3A_774 = vector.broadcast %div3A_773 : f32 to vector<1x128xf32>
      %div3A_775 = arith.divf %div3A_774, %broadcast_in_dim3A_772 : vector<1x128xf32>
      %mul3A_776 = vector.broadcast %div3A_775 : vector<1x128xf32> to vector<32x128xf32>
      %mul3A_777 = arith.mulf %dot_general3A_769, %mul3A_776 : vector<32x128xf32>
      %get3A_778 = arith.constant 0 : index
      %get3A_779 = arith.constant 32 : index
      %get3A_780 = arith.constant 0 : index
      %get3A_781 = vector.load %arg0[%get3A_778, %get3A_779, %get3A_780] : memref<2x128x2048xf32, #tpu.memory_space<vmem>>, vector<1x32x128xf32>
      %get3A_782 = vector.shape_cast %get3A_781 : vector<1x32x128xf32> to vector<32x128xf32>
      %add3A_783 = arith.addf %mul3A_777, %get3A_782 : vector<32x128xf32>
      %get3A_784 = arith.constant 0 : index
      %get3A_785 = arith.constant 32 : index
      %get3A_786 = arith.constant 0 : index
      %get3A_787 = vector.load %arg13[%get3A_784, %get3A_785, %get3A_786] : memref<2x128x128xf32, #tpu.memory_space<vmem>>, vector<1x32x128xf32>
      %get3A_788 = vector.shape_cast %get3A_787 : vector<1x32x128xf32> to vector<32x128xf32>
      %broadcast_in_dim3A_789 = vector.shape_cast %eq3A_707 : vector<1x128xi1> to vector<1x128xi1>
      %broadcast_in_dim3A_790 = vector.broadcast %broadcast_in_dim3A_789 : vector<1x128xi1> to vector<32x128xi1>
      %select_n3A_791 = arith.select %broadcast_in_dim3A_790, %add3A_783, %get3A_788 : vector<32x128xi1>, vector<32x128xf32>
      %swap3A_792 = arith.constant 0 : index
      %swap3A_793 = arith.constant 32 : index
      %swap3A_794 = arith.constant 0 : index
      %swap3A_795 = vector.load %arg13[%swap3A_792, %swap3A_793, %swap3A_794] : memref<2x128x128xf32, #tpu.memory_space<vmem>>, vector<1x32x128xf32>
      %swap3A_796 = vector.shape_cast %swap3A_795 : vector<1x32x128xf32> to vector<32x128xf32>
      %swap3A_797 = vector.shape_cast %select_n3A_791 : vector<32x128xf32> to vector<1x32x128xf32>
      tpu.vector_store %arg13[%swap3A_792, %swap3A_793, %swap3A_794], %swap3A_797 {strides = array<i32>} : memref<2x128x128xf32, #tpu.memory_space<vmem>>, vector<1x32x128xf32>,
      %get3A_798 = arith.constant 0 : index
      %get3A_799 = arith.constant 64 : index
      %get3A_800 = arith.constant 0 : index
      %get3A_801 = vector.load %arg12[%get3A_798, %get3A_799, %get3A_800] : memref<2x128x2048xf32, #tpu.memory_space<vmem>>, vector<1x32x128xf32>
      %get3A_802 = vector.shape_cast %get3A_801 : vector<1x32x128xf32> to vector<32x128xf32>
      %slice3A_803 = vector.extract_strided_slice %dot_general3A_691 {offsets = [64, 0], sizes = [32, 128], strides = [1, 1]} : vector<128x128xf32> to vector<32x128xf32>
      %slice3A_804 = vector.extract_strided_slice %dot_general3A_701 {offsets = [64, 0], sizes = [32, 128], strides = [1, 1]} : vector<128x128xf32> to vector<32x128xf32>
      %dot_general3A_805 = arith.constant dense<0.000000e+00> : vector<128x128xf32>
      %dot_general3A_806 = tpu.matmul %slice3A_803, %get3A_802, %dot_general3A_805 {dimension_numbers = #tpu.dot_dimension_numbers<[0], [0], [1], [1], [0, 1, 1, 1], [], []>, transpose_lhs_hint = false} : vector<32x128xf32>, vector<32x128xf32>, vector<128x128xf32> -> vector<128x128xf32>
      %reduce_max3A_807 = arith.constant dense<0xFF800000> : vector<128xf32>
      %reduce_max3A_808 = vector.multi_reduction <maximumf>, %dot_general3A_806, %reduce_max3A_807 [0] : vector<128x128xf32> to vector<128xf32>
      %broadcast_in_dim3A_809 = vector.shape_cast %reduce_max3A_808 : vector<128xf32> to vector<1x128xf32>
      %sub3A_810 = vector.broadcast %broadcast_in_dim3A_809 : vector<1x128xf32> to vector<128x128xf32>
      %sub3A_811 = arith.subf %dot_general3A_806, %sub3A_810 : vector<128x128xf32>
      %exp23A_812 = math.exp2 %sub3A_811 : vector<128x128xf32>
      %dot_general3A_813 = arith.constant dense<0.000000e+00> : vector<32x128xf32>
      %dot_general3A_814 = tpu.matmul %slice3A_804, %exp23A_812, %dot_general3A_813 {dimension_numbers = #tpu.dot_dimension_numbers<[1], [0], [0], [1], [0, 0, 1, 1], [], []>, transpose_lhs_hint = false} : vector<32x128xf32>, vector<128x128xf32>, vector<32x128xf32> -> vector<32x128xf32>
      %reduce_sum3A_815 = arith.constant dense<0.000000e+00> : vector<128xf32>
      %reduce_sum3A_816 = vector.multi_reduction <add>, %exp23A_812, %reduce_sum3A_815 [0] : vector<128x128xf32> to vector<128xf32>
      %broadcast_in_dim3A_817 = vector.shape_cast %reduce_sum3A_816 : vector<128xf32> to vector<1x128xf32>
      %div3A_818 = arith.constant 1.000000e+00 : f32
      %div3A_819 = vector.broadcast %div3A_818 : f32 to vector<1x128xf32>
      %div3A_820 = arith.divf %div3A_819, %broadcast_in_dim3A_817 : vector<1x128xf32>
      %mul3A_821 = vector.broadcast %div3A_820 : vector<1x128xf32> to vector<32x128xf32>
      %mul3A_822 = arith.mulf %dot_general3A_814, %mul3A_821 : vector<32x128xf32>
      %get3A_823 = arith.constant 0 : index
      %get3A_824 = arith.constant 64 : index
      %get3A_825 = arith.constant 0 : index
      %get3A_826 = vector.load %arg0[%get3A_823, %get3A_824, %get3A_825] : memref<2x128x2048xf32, #tpu.memory_space<vmem>>, vector<1x32x128xf32>
      %get3A_827 = vector.shape_cast %get3A_826 : vector<1x32x128xf32> to vector<32x128xf32>
      %add3A_828 = arith.addf %mul3A_822, %get3A_827 : vector<32x128xf32>
      %get3A_829 = arith.constant 0 : index
      %get3A_830 = arith.constant 64 : index
      %get3A_831 = arith.constant 0 : index
      %get3A_832 = vector.load %arg13[%get3A_829, %get3A_830, %get3A_831] : memref<2x128x128xf32, #tpu.memory_space<vmem>>, vector<1x32x128xf32>
      %get3A_833 = vector.shape_cast %get3A_832 : vector<1x32x128xf32> to vector<32x128xf32>
      %broadcast_in_dim3A_834 = vector.shape_cast %eq3A_707 : vector<1x128xi1> to vector<1x128xi1>
      %broadcast_in_dim3A_835 = vector.broadcast %broadcast_in_dim3A_834 : vector<1x128xi1> to vector<32x128xi1>
      %select_n3A_836 = arith.select %broadcast_in_dim3A_835, %add3A_828, %get3A_833 : vector<32x128xi1>, vector<32x128xf32>
      %swap3A_837 = arith.constant 0 : index
      %swap3A_838 = arith.constant 64 : index
      %swap3A_839 = arith.constant 0 : index
      %swap3A_840 = vector.load %arg13[%swap3A_837, %swap3A_838, %swap3A_839] : memref<2x128x128xf32, #tpu.memory_space<vmem>>, vector<1x32x128xf32>
      %swap3A_841 = vector.shape_cast %swap3A_840 : vector<1x32x128xf32> to vector<32x128xf32>
      %swap3A_842 = vector.shape_cast %select_n3A_836 : vector<32x128xf32> to vector<1x32x128xf32>
      tpu.vector_store %arg13[%swap3A_837, %swap3A_838, %swap3A_839], %swap3A_842 {strides = array<i32>} : memref<2x128x128xf32, #tpu.memory_space<vmem>>, vector<1x32x128xf32>,
      %get3A_843 = arith.constant 0 : index
      %get3A_844 = arith.constant 96 : index
      %get3A_845 = arith.constant 0 : index
      %get3A_846 = vector.load %arg12[%get3A_843, %get3A_844, %get3A_845] : memref<2x128x2048xf32, #tpu.memory_space<vmem>>, vector<1x32x128xf32>
      %get3A_847 = vector.shape_cast %get3A_846 : vector<1x32x128xf32> to vector<32x128xf32>
      %slice3A_848 = vector.extract_strided_slice %dot_general3A_691 {offsets = [96, 0], sizes = [32, 128], strides = [1, 1]} : vector<128x128xf32> to vector<32x128xf32>
      %slice3A_849 = vector.extract_strided_slice %dot_general3A_701 {offsets = [96, 0], sizes = [32, 128], strides = [1, 1]} : vector<128x128xf32> to vector<32x128xf32>
      %dot_general3A_850 = arith.constant dense<0.000000e+00> : vector<128x128xf32>
      %dot_general3A_851 = tpu.matmul %slice3A_848, %get3A_847, %dot_general3A_850 {dimension_numbers = #tpu.dot_dimension_numbers<[0], [0], [1], [1], [0, 1, 1, 1], [], []>, transpose_lhs_hint = false} : vector<32x128xf32>, vector<32x128xf32>, vector<128x128xf32> -> vector<128x128xf32>
      %reduce_max3A_852 = arith.constant dense<0xFF800000> : vector<128xf32>
      %reduce_max3A_853 = vector.multi_reduction <maximumf>, %dot_general3A_851, %reduce_max3A_852 [0] : vector<128x128xf32> to vector<128xf32>
      %broadcast_in_dim3A_854 = vector.shape_cast %reduce_max3A_853 : vector<128xf32> to vector<1x128xf32>
      %sub3A_855 = vector.broadcast %broadcast_in_dim3A_854 : vector<1x128xf32> to vector<128x128xf32>
      %sub3A_856 = arith.subf %dot_general3A_851, %sub3A_855 : vector<128x128xf32>
      %exp23A_857 = math.exp2 %sub3A_856 : vector<128x128xf32>
      %dot_general3A_858 = arith.constant dense<0.000000e+00> : vector<32x128xf32>
      %dot_general3A_859 = tpu.matmul %slice3A_849, %exp23A_857, %dot_general3A_858 {dimension_numbers = #tpu.dot_dimension_numbers<[1], [0], [0], [1], [0, 0, 1, 1], [], []>, transpose_lhs_hint = false} : vector<32x128xf32>, vector<128x128xf32>, vector<32x128xf32> -> vector<32x128xf32>
      %reduce_sum3A_860 = arith.constant dense<0.000000e+00> : vector<128xf32>
      %reduce_sum3A_861 = vector.multi_reduction <add>, %exp23A_857, %reduce_sum3A_860 [0] : vector<128x128xf32> to vector<128xf32>
      %broadcast_in_dim3A_862 = vector.shape_cast %reduce_sum3A_861 : vector<128xf32> to vector<1x128xf32>
      %div3A_863 = arith.constant 1.000000e+00 : f32
      %div3A_864 = vector.broadcast %div3A_863 : f32 to vector<1x128xf32>
      %div3A_865 = arith.divf %div3A_864, %broadcast_in_dim3A_862 : vector<1x128xf32>
      %mul3A_866 = vector.broadcast %div3A_865 : vector<1x128xf32> to vector<32x128xf32>
      %mul3A_867 = arith.mulf %dot_general3A_859, %mul3A_866 : vector<32x128xf32>
      %get3A_868 = arith.constant 0 : index
      %get3A_869 = arith.constant 96 : index
      %get3A_870 = arith.constant 0 : index
      %get3A_871 = vector.load %arg0[%get3A_868, %get3A_869, %get3A_870] : memref<2x128x2048xf32, #tpu.memory_space<vmem>>, vector<1x32x128xf32>
      %get3A_872 = vector.shape_cast %get3A_871 : vector<1x32x128xf32> to vector<32x128xf32>
      %add3A_873 = arith.addf %mul3A_867, %get3A_872 : vector<32x128xf32>
      %get3A_874 = arith.constant 0 : index
      %get3A_875 = arith.constant 96 : index
      %get3A_876 = arith.constant 0 : index
      %get3A_877 = vector.load %arg13[%get3A_874, %get3A_875, %get3A_876] : memref<2x128x128xf32, #tpu.memory_space<vmem>>, vector<1x32x128xf32>
      %get3A_878 = vector.shape_cast %get3A_877 : vector<1x32x128xf32> to vector<32x128xf32>
      %broadcast_in_dim3A_879 = vector.shape_cast %eq3A_707 : vector<1x128xi1> to vector<1x128xi1>
      %broadcast_in_dim3A_880 = vector.broadcast %broadcast_in_dim3A_879 : vector<1x128xi1> to vector<32x128xi1>
      %select_n3A_881 = arith.select %broadcast_in_dim3A_880, %add3A_873, %get3A_878 : vector<32x128xi1>, vector<32x128xf32>
      %swap3A_882 = arith.constant 0 : index
      %swap3A_883 = arith.constant 96 : index
      %swap3A_884 = arith.constant 0 : index
      %swap3A_885 = vector.load %arg13[%swap3A_882, %swap3A_883, %swap3A_884] : memref<2x128x128xf32, #tpu.memory_space<vmem>>, vector<1x32x128xf32>
      %swap3A_886 = vector.shape_cast %swap3A_885 : vector<1x32x128xf32> to vector<32x128xf32>
      %swap3A_887 = vector.shape_cast %select_n3A_881 : vector<32x128xf32> to vector<1x32x128xf32>
      tpu.vector_store %arg13[%swap3A_882, %swap3A_883, %swap3A_884], %swap3A_887 {strides = array<i32>} : memref<2x128x128xf32, #tpu.memory_space<vmem>>, vector<1x32x128xf32>,
      %get3A_888 = arith.constant 0 : index
      %get3A_889 = arith.constant 0 : index
      %get3A_890 = vector.load %arg4[%get3A_888, %get3A_889] : memref<128x128xf32, #tpu.memory_space<vmem>>, vector<128x128xf32>
      %get3A_891 = arith.constant 1 : index
      %get3A_892 = arith.constant 0 : index
      %get3A_893 = arith.constant 0 : index
      %get3A_894 = vector.load %arg13[%get3A_891, %get3A_892, %get3A_893] : memref<2x128x128xf32, #tpu.memory_space<vmem>>, vector<1x128x128xf32>
      %get3A_895 = vector.shape_cast %get3A_894 : vector<1x128x128xf32> to vector<128x128xf32>
      %dot_general3A_896 = arith.constant dense<0.000000e+00> : vector<128x128xf32>
      %dot_general3A_897 = tpu.matmul %get3A_890, %get3A_895, %dot_general3A_896 {dimension_numbers = #tpu.dot_dimension_numbers<[1], [0], [0], [1], [0, 0, 1, 1], [], []>, transpose_lhs_hint = false} : vector<128x128xf32>, vector<128x128xf32>, vector<128x128xf32> -> vector<128x128xf32>
      %get3A_898 = arith.constant 0 : index
      %get3A_899 = arith.constant 0 : index
      %get3A_900 = vector.load %arg5[%get3A_898, %get3A_899] : memref<128x128xf32, #tpu.memory_space<vmem>>, vector<128x128xf32>
      %get3A_901 = arith.constant 1 : index
      %get3A_902 = arith.constant 0 : index
      %get3A_903 = arith.constant 0 : index
      %get3A_904 = vector.load %arg13[%get3A_901, %get3A_902, %get3A_903] : memref<2x128x128xf32, #tpu.memory_space<vmem>>, vector<1x128x128xf32>
      %get3A_905 = vector.shape_cast %get3A_904 : vector<1x128x128xf32> to vector<128x128xf32>
      %dot_general3A_906 = arith.constant dense<0.000000e+00> : vector<128x128xf32>
      %dot_general3A_907 = tpu.matmul %get3A_900, %get3A_905, %dot_general3A_906 {dimension_numbers = #tpu.dot_dimension_numbers<[1], [0], [0], [1], [0, 0, 1, 1], [], []>, transpose_lhs_hint = false} : vector<128x128xf32>, vector<128x128xf32>, vector<128x128xf32> -> vector<128x128xf32>
      %get3A_908 = arith.constant 1 : index
      %get3A_909 = arith.constant 0 : index
      %get3A_910 = arith.constant 0 : index
      %get3A_911 = vector.load %arg1[%get3A_908, %get3A_909, %get3A_910] : memref<2x1x2048xi32, #tpu.memory_space<vmem>>, vector<1x1x128xi32>
      %get3A_912 = vector.shape_cast %get3A_911 : vector<1x1x128xi32> to vector<1x128xi32>
      %eq3A_913 = vector.broadcast %while3A_681 : i32 to vector<1x128xi32>
      %eq3A_914 = arith.cmpi eq, %get3A_912, %eq3A_913 : vector<1x128xi32>
      %get3A_915 = arith.constant 1 : index
      %get3A_916 = arith.constant 0 : index
      %get3A_917 = arith.constant 0 : index
      %get3A_918 = vector.load %arg12[%get3A_915, %get3A_916, %get3A_917] : memref<2x128x2048xf32, #tpu.memory_space<vmem>>, vector<1x32x128xf32>
      %get3A_919 = vector.shape_cast %get3A_918 : vector<1x32x128xf32> to vector<32x128xf32>
      %slice3A_920 = vector.extract_strided_slice %dot_general3A_897 {offsets = [0, 0], sizes = [32, 128], strides = [1, 1]} : vector<128x128xf32> to vector<32x128xf32>
      %slice3A_921 = vector.extract_strided_slice %dot_general3A_907 {offsets = [0, 0], sizes = [32, 128], strides = [1, 1]} : vector<128x128xf32> to vector<32x128xf32>
      %dot_general3A_922 = arith.constant dense<0.000000e+00> : vector<128x128xf32>
      %dot_general3A_923 = tpu.matmul %slice3A_920, %get3A_919, %dot_general3A_922 {dimension_numbers = #tpu.dot_dimension_numbers<[0], [0], [1], [1], [0, 1, 1, 1], [], []>, transpose_lhs_hint = false} : vector<32x128xf32>, vector<32x128xf32>, vector<128x128xf32> -> vector<128x128xf32>
      %reduce_max3A_924 = arith.constant dense<0xFF800000> : vector<128xf32>
      %reduce_max3A_925 = vector.multi_reduction <maximumf>, %dot_general3A_923, %reduce_max3A_924 [0] : vector<128x128xf32> to vector<128xf32>
      %broadcast_in_dim3A_926 = vector.shape_cast %reduce_max3A_925 : vector<128xf32> to vector<1x128xf32>
      %sub3A_927 = vector.broadcast %broadcast_in_dim3A_926 : vector<1x128xf32> to vector<128x128xf32>
      %sub3A_928 = arith.subf %dot_general3A_923, %sub3A_927 : vector<128x128xf32>
      %exp23A_929 = math.exp2 %sub3A_928 : vector<128x128xf32>
      %dot_general3A_930 = arith.constant dense<0.000000e+00> : vector<32x128xf32>
      %dot_general3A_931 = tpu.matmul %slice3A_921, %exp23A_929, %dot_general3A_930 {dimension_numbers = #tpu.dot_dimension_numbers<[1], [0], [0], [1], [0, 0, 1, 1], [], []>, transpose_lhs_hint = false} : vector<32x128xf32>, vector<128x128xf32>, vector<32x128xf32> -> vector<32x128xf32>
      %reduce_sum3A_932 = arith.constant dense<0.000000e+00> : vector<128xf32>
      %reduce_sum3A_933 = vector.multi_reduction <add>, %exp23A_929, %reduce_sum3A_932 [0] : vector<128x128xf32> to vector<128xf32>
      %broadcast_in_dim3A_934 = vector.shape_cast %reduce_sum3A_933 : vector<128xf32> to vector<1x128xf32>
      %div3A_935 = arith.constant 1.000000e+00 : f32
      %div3A_936 = vector.broadcast %div3A_935 : f32 to vector<1x128xf32>
      %div3A_937 = arith.divf %div3A_936, %broadcast_in_dim3A_934 : vector<1x128xf32>
      %mul3A_938 = vector.broadcast %div3A_937 : vector<1x128xf32> to vector<32x128xf32>
      %mul3A_939 = arith.mulf %dot_general3A_931, %mul3A_938 : vector<32x128xf32>
      %get3A_940 = arith.constant 1 : index
      %get3A_941 = arith.constant 0 : index
      %get3A_942 = arith.constant 0 : index
      %get3A_943 = vector.load %arg0[%get3A_940, %get3A_941, %get3A_942] : memref<2x128x2048xf32, #tpu.memory_space<vmem>>, vector<1x32x128xf32>
      %get3A_944 = vector.shape_cast %get3A_943 : vector<1x32x128xf32> to vector<32x128xf32>
      %add3A_945 = arith.addf %mul3A_939, %get3A_944 : vector<32x128xf32>
      %get3A_946 = arith.constant 1 : index
      %get3A_947 = arith.constant 0 : index
      %get3A_948 = arith.constant 0 : index
      %get3A_949 = vector.load %arg13[%get3A_946, %get3A_947, %get3A_948] : memref<2x128x128xf32, #tpu.memory_space<vmem>>, vector<1x32x128xf32>
      %get3A_950 = vector.shape_cast %get3A_949 : vector<1x32x128xf32> to vector<32x128xf32>
      %broadcast_in_dim3A_951 = vector.shape_cast %eq3A_914 : vector<1x128xi1> to vector<1x128xi1>
      %broadcast_in_dim3A_952 = vector.broadcast %broadcast_in_dim3A_951 : vector<1x128xi1> to vector<32x128xi1>
      %select_n3A_953 = arith.select %broadcast_in_dim3A_952, %add3A_945, %get3A_950 : vector<32x128xi1>, vector<32x128xf32>
      %swap3A_954 = arith.constant 1 : index
      %swap3A_955 = arith.constant 0 : index
      %swap3A_956 = arith.constant 0 : index
      %swap3A_957 = vector.load %arg13[%swap3A_954, %swap3A_955, %swap3A_956] : memref<2x128x128xf32, #tpu.memory_space<vmem>>, vector<1x32x128xf32>
      %swap3A_958 = vector.shape_cast %swap3A_957 : vector<1x32x128xf32> to vector<32x128xf32>
      %swap3A_959 = vector.shape_cast %select_n3A_953 : vector<32x128xf32> to vector<1x32x128xf32>
      tpu.vector_store %arg13[%swap3A_954, %swap3A_955, %swap3A_956], %swap3A_959 {strides = array<i32>} : memref<2x128x128xf32, #tpu.memory_space<vmem>>, vector<1x32x128xf32>,
      %get3A_960 = arith.constant 1 : index
      %get3A_961 = arith.constant 32 : index
      %get3A_962 = arith.constant 0 : index
      %get3A_963 = vector.load %arg12[%get3A_960, %get3A_961, %get3A_962] : memref<2x128x2048xf32, #tpu.memory_space<vmem>>, vector<1x32x128xf32>
      %get3A_964 = vector.shape_cast %get3A_963 : vector<1x32x128xf32> to vector<32x128xf32>
      %slice3A_965 = vector.extract_strided_slice %dot_general3A_897 {offsets = [32, 0], sizes = [32, 128], strides = [1, 1]} : vector<128x128xf32> to vector<32x128xf32>
      %slice3A_966 = vector.extract_strided_slice %dot_general3A_907 {offsets = [32, 0], sizes = [32, 128], strides = [1, 1]} : vector<128x128xf32> to vector<32x128xf32>
      %dot_general3A_967 = arith.constant dense<0.000000e+00> : vector<128x128xf32>
      %dot_general3A_968 = tpu.matmul %slice3A_965, %get3A_964, %dot_general3A_967 {dimension_numbers = #tpu.dot_dimension_numbers<[0], [0], [1], [1], [0, 1, 1, 1], [], []>, transpose_lhs_hint = false} : vector<32x128xf32>, vector<32x128xf32>, vector<128x128xf32> -> vector<128x128xf32>
      %reduce_max3A_969 = arith.constant dense<0xFF800000> : vector<128xf32>
      %reduce_max3A_970 = vector.multi_reduction <maximumf>, %dot_general3A_968, %reduce_max3A_969 [0] : vector<128x128xf32> to vector<128xf32>
      %broadcast_in_dim3A_971 = vector.shape_cast %reduce_max3A_970 : vector<128xf32> to vector<1x128xf32>
      %sub3A_972 = vector.broadcast %broadcast_in_dim3A_971 : vector<1x128xf32> to vector<128x128xf32>
      %sub3A_973 = arith.subf %dot_general3A_968, %sub3A_972 : vector<128x128xf32>
      %exp23A_974 = math.exp2 %sub3A_973 : vector<128x128xf32>
      %dot_general3A_975 = arith.constant dense<0.000000e+00> : vector<32x128xf32>
      %dot_general3A_976 = tpu.matmul %slice3A_966, %exp23A_974, %dot_general3A_975 {dimension_numbers = #tpu.dot_dimension_numbers<[1], [0], [0], [1], [0, 0, 1, 1], [], []>, transpose_lhs_hint = false} : vector<32x128xf32>, vector<128x128xf32>, vector<32x128xf32> -> vector<32x128xf32>
      %reduce_sum3A_977 = arith.constant dense<0.000000e+00> : vector<128xf32>
      %reduce_sum3A_978 = vector.multi_reduction <add>, %exp23A_974, %reduce_sum3A_977 [0] : vector<128x128xf32> to vector<128xf32>
      %broadcast_in_dim3A_979 = vector.shape_cast %reduce_sum3A_978 : vector<128xf32> to vector<1x128xf32>
      %div3A_980 = arith.constant 1.000000e+00 : f32
      %div3A_981 = vector.broadcast %div3A_980 : f32 to vector<1x128xf32>
      %div3A_982 = arith.divf %div3A_981, %broadcast_in_dim3A_979 : vector<1x128xf32>
      %mul3A_983 = vector.broadcast %div3A_982 : vector<1x128xf32> to vector<32x128xf32>
      %mul3A_984 = arith.mulf %dot_general3A_976, %mul3A_983 : vector<32x128xf32>
      %get3A_985 = arith.constant 1 : index
      %get3A_986 = arith.constant 32 : index
      %get3A_987 = arith.constant 0 : index
      %get3A_988 = vector.load %arg0[%get3A_985, %get3A_986, %get3A_987] : memref<2x128x2048xf32, #tpu.memory_space<vmem>>, vector<1x32x128xf32>
      %get3A_989 = vector.shape_cast %get3A_988 : vector<1x32x128xf32> to vector<32x128xf32>
      %add3A_990 = arith.addf %mul3A_984, %get3A_989 : vector<32x128xf32>
      %get3A_991 = arith.constant 1 : index
      %get3A_992 = arith.constant 32 : index
      %get3A_993 = arith.constant 0 : index
      %get3A_994 = vector.load %arg13[%get3A_991, %get3A_992, %get3A_993] : memref<2x128x128xf32, #tpu.memory_space<vmem>>, vector<1x32x128xf32>
      %get3A_995 = vector.shape_cast %get3A_994 : vector<1x32x128xf32> to vector<32x128xf32>
      %broadcast_in_dim3A_996 = vector.shape_cast %eq3A_914 : vector<1x128xi1> to vector<1x128xi1>
      %broadcast_in_dim3A_997 = vector.broadcast %broadcast_in_dim3A_996 : vector<1x128xi1> to vector<32x128xi1>
      %select_n3A_998 = arith.select %broadcast_in_dim3A_997, %add3A_990, %get3A_995 : vector<32x128xi1>, vector<32x128xf32>
      %swap3A_999 = arith.constant 1 : index
      %swap3A_1000 = arith.constant 32 : index
      %swap3A_1001 = arith.constant 0 : index
      %swap3A_1002 = vector.load %arg13[%swap3A_999, %swap3A_1000, %swap3A_1001] : memref<2x128x128xf32, #tpu.memory_space<vmem>>, vector<1x32x128xf32>
      %swap3A_1003 = vector.shape_cast %swap3A_1002 : vector<1x32x128xf32> to vector<32x128xf32>
      %swap3A_1004 = vector.shape_cast %select_n3A_998 : vector<32x128xf32> to vector<1x32x128xf32>
      tpu.vector_store %arg13[%swap3A_999, %swap3A_1000, %swap3A_1001], %swap3A_1004 {strides = array<i32>} : memref<2x128x128xf32, #tpu.memory_space<vmem>>, vector<1x32x128xf32>,
      %get3A_1005 = arith.constant 1 : index
      %get3A_1006 = arith.constant 64 : index
      %get3A_1007 = arith.constant 0 : index
      %get3A_1008 = vector.load %arg12[%get3A_1005, %get3A_1006, %get3A_1007] : memref<2x128x2048xf32, #tpu.memory_space<vmem>>, vector<1x32x128xf32>
      %get3A_1009 = vector.shape_cast %get3A_1008 : vector<1x32x128xf32> to vector<32x128xf32>
      %slice3A_1010 = vector.extract_strided_slice %dot_general3A_897 {offsets = [64, 0], sizes = [32, 128], strides = [1, 1]} : vector<128x128xf32> to vector<32x128xf32>
      %slice3A_1011 = vector.extract_strided_slice %dot_general3A_907 {offsets = [64, 0], sizes = [32, 128], strides = [1, 1]} : vector<128x128xf32> to vector<32x128xf32>
      %dot_general3A_1012 = arith.constant dense<0.000000e+00> : vector<128x128xf32>
      %dot_general3A_1013 = tpu.matmul %slice3A_1010, %get3A_1009, %dot_general3A_1012 {dimension_numbers = #tpu.dot_dimension_numbers<[0], [0], [1], [1], [0, 1, 1, 1], [], []>, transpose_lhs_hint = false} : vector<32x128xf32>, vector<32x128xf32>, vector<128x128xf32> -> vector<128x128xf32>
      %reduce_max3A_1014 = arith.constant dense<0xFF800000> : vector<128xf32>
      %reduce_max3A_1015 = vector.multi_reduction <maximumf>, %dot_general3A_1013, %reduce_max3A_1014 [0] : vector<128x128xf32> to vector<128xf32>
      %broadcast_in_dim3A_1016 = vector.shape_cast %reduce_max3A_1015 : vector<128xf32> to vector<1x128xf32>
      %sub3A_1017 = vector.broadcast %broadcast_in_dim3A_1016 : vector<1x128xf32> to vector<128x128xf32>
      %sub3A_1018 = arith.subf %dot_general3A_1013, %sub3A_1017 : vector<128x128xf32>
      %exp23A_1019 = math.exp2 %sub3A_1018 : vector<128x128xf32>
      %dot_general3A_1020 = arith.constant dense<0.000000e+00> : vector<32x128xf32>
      %dot_general3A_1021 = tpu.matmul %slice3A_1011, %exp23A_1019, %dot_general3A_1020 {dimension_numbers = #tpu.dot_dimension_numbers<[1], [0], [0], [1], [0, 0, 1, 1], [], []>, transpose_lhs_hint = false} : vector<32x128xf32>, vector<128x128xf32>, vector<32x128xf32> -> vector<32x128xf32>
      %reduce_sum3A_1022 = arith.constant dense<0.000000e+00> : vector<128xf32>
      %reduce_sum3A_1023 = vector.multi_reduction <add>, %exp23A_1019, %reduce_sum3A_1022 [0] : vector<128x128xf32> to vector<128xf32>
      %broadcast_in_dim3A_1024 = vector.shape_cast %reduce_sum3A_1023 : vector<128xf32> to vector<1x128xf32>
      %div3A_1025 = arith.constant 1.000000e+00 : f32
      %div3A_1026 = vector.broadcast %div3A_1025 : f32 to vector<1x128xf32>
      %div3A_1027 = arith.divf %div3A_1026, %broadcast_in_dim3A_1024 : vector<1x128xf32>
      %mul3A_1028 = vector.broadcast %div3A_1027 : vector<1x128xf32> to vector<32x128xf32>
      %mul3A_1029 = arith.mulf %dot_general3A_1021, %mul3A_1028 : vector<32x128xf32>
      %get3A_1030 = arith.constant 1 : index
      %get3A_1031 = arith.constant 64 : index
      %get3A_1032 = arith.constant 0 : index
      %get3A_1033 = vector.load %arg0[%get3A_1030, %get3A_1031, %get3A_1032] : memref<2x128x2048xf32, #tpu.memory_space<vmem>>, vector<1x32x128xf32>
      %get3A_1034 = vector.shape_cast %get3A_1033 : vector<1x32x128xf32> to vector<32x128xf32>
      %add3A_1035 = arith.addf %mul3A_1029, %get3A_1034 : vector<32x128xf32>
      %get3A_1036 = arith.constant 1 : index
      %get3A_1037 = arith.constant 64 : index
      %get3A_1038 = arith.constant 0 : index
      %get3A_1039 = vector.load %arg13[%get3A_1036, %get3A_1037, %get3A_1038] : memref<2x128x128xf32, #tpu.memory_space<vmem>>, vector<1x32x128xf32>
      %get3A_1040 = vector.shape_cast %get3A_1039 : vector<1x32x128xf32> to vector<32x128xf32>
      %broadcast_in_dim3A_1041 = vector.shape_cast %eq3A_914 : vector<1x128xi1> to vector<1x128xi1>
      %broadcast_in_dim3A_1042 = vector.broadcast %broadcast_in_dim3A_1041 : vector<1x128xi1> to vector<32x128xi1>
      %select_n3A_1043 = arith.select %broadcast_in_dim3A_1042, %add3A_1035, %get3A_1040 : vector<32x128xi1>, vector<32x128xf32>
      %swap3A_1044 = arith.constant 1 : index
      %swap3A_1045 = arith.constant 64 : index
      %swap3A_1046 = arith.constant 0 : index
      %swap3A_1047 = vector.load %arg13[%swap3A_1044, %swap3A_1045, %swap3A_1046] : memref<2x128x128xf32, #tpu.memory_space<vmem>>, vector<1x32x128xf32>
      %swap3A_1048 = vector.shape_cast %swap3A_1047 : vector<1x32x128xf32> to vector<32x128xf32>
      %swap3A_1049 = vector.shape_cast %select_n3A_1043 : vector<32x128xf32> to vector<1x32x128xf32>
      tpu.vector_store %arg13[%swap3A_1044, %swap3A_1045, %swap3A_1046], %swap3A_1049 {strides = array<i32>} : memref<2x128x128xf32, #tpu.memory_space<vmem>>, vector<1x32x128xf32>,
      %get3A_1050 = arith.constant 1 : index
      %get3A_1051 = arith.constant 96 : index
      %get3A_1052 = arith.constant 0 : index
      %get3A_1053 = vector.load %arg12[%get3A_1050, %get3A_1051, %get3A_1052] : memref<2x128x2048xf32, #tpu.memory_space<vmem>>, vector<1x32x128xf32>
      %get3A_1054 = vector.shape_cast %get3A_1053 : vector<1x32x128xf32> to vector<32x128xf32>
      %slice3A_1055 = vector.extract_strided_slice %dot_general3A_897 {offsets = [96, 0], sizes = [32, 128], strides = [1, 1]} : vector<128x128xf32> to vector<32x128xf32>
      %slice3A_1056 = vector.extract_strided_slice %dot_general3A_907 {offsets = [96, 0], sizes = [32, 128], strides = [1, 1]} : vector<128x128xf32> to vector<32x128xf32>
      %dot_general3A_1057 = arith.constant dense<0.000000e+00> : vector<128x128xf32>
      %dot_general3A_1058 = tpu.matmul %slice3A_1055, %get3A_1054, %dot_general3A_1057 {dimension_numbers = #tpu.dot_dimension_numbers<[0], [0], [1], [1], [0, 1, 1, 1], [], []>, transpose_lhs_hint = false} : vector<32x128xf32>, vector<32x128xf32>, vector<128x128xf32> -> vector<128x128xf32>
      %reduce_max3A_1059 = arith.constant dense<0xFF800000> : vector<128xf32>
      %reduce_max3A_1060 = vector.multi_reduction <maximumf>, %dot_general3A_1058, %reduce_max3A_1059 [0] : vector<128x128xf32> to vector<128xf32>
      %broadcast_in_dim3A_1061 = vector.shape_cast %reduce_max3A_1060 : vector<128xf32> to vector<1x128xf32>
      %sub3A_1062 = vector.broadcast %broadcast_in_dim3A_1061 : vector<1x128xf32> to vector<128x128xf32>
      %sub3A_1063 = arith.subf %dot_general3A_1058, %sub3A_1062 : vector<128x128xf32>
      %exp23A_1064 = math.exp2 %sub3A_1063 : vector<128x128xf32>
      %dot_general3A_1065 = arith.constant dense<0.000000e+00> : vector<32x128xf32>
      %dot_general3A_1066 = tpu.matmul %slice3A_1056, %exp23A_1064, %dot_general3A_1065 {dimension_numbers = #tpu.dot_dimension_numbers<[1], [0], [0], [1], [0, 0, 1, 1], [], []>, transpose_lhs_hint = false} : vector<32x128xf32>, vector<128x128xf32>, vector<32x128xf32> -> vector<32x128xf32>
      %reduce_sum3A_1067 = arith.constant dense<0.000000e+00> : vector<128xf32>
      %reduce_sum3A_1068 = vector.multi_reduction <add>, %exp23A_1064, %reduce_sum3A_1067 [0] : vector<128x128xf32> to vector<128xf32>
      %broadcast_in_dim3A_1069 = vector.shape_cast %reduce_sum3A_1068 : vector<128xf32> to vector<1x128xf32>
      %div3A_1070 = arith.constant 1.000000e+00 : f32
      %div3A_1071 = vector.broadcast %div3A_1070 : f32 to vector<1x128xf32>
      %div3A_1072 = arith.divf %div3A_1071, %broadcast_in_dim3A_1069 : vector<1x128xf32>
      %mul3A_1073 = vector.broadcast %div3A_1072 : vector<1x128xf32> to vector<32x128xf32>
      %mul3A_1074 = arith.mulf %dot_general3A_1066, %mul3A_1073 : vector<32x128xf32>
      %get3A_1075 = arith.constant 1 : index
      %get3A_1076 = arith.constant 96 : index
      %get3A_1077 = arith.constant 0 : index
      %get3A_1078 = vector.load %arg0[%get3A_1075, %get3A_1076, %get3A_1077] : memref<2x128x2048xf32, #tpu.memory_space<vmem>>, vector<1x32x128xf32>
      %get3A_1079 = vector.shape_cast %get3A_1078 : vector<1x32x128xf32> to vector<32x128xf32>
      %add3A_1080 = arith.addf %mul3A_1074, %get3A_1079 : vector<32x128xf32>
      %get3A_1081 = arith.constant 1 : index
      %get3A_1082 = arith.constant 96 : index
      %get3A_1083 = arith.constant 0 : index
      %get3A_1084 = vector.load %arg13[%get3A_1081, %get3A_1082, %get3A_1083] : memref<2x128x128xf32, #tpu.memory_space<vmem>>, vector<1x32x128xf32>
      %get3A_1085 = vector.shape_cast %get3A_1084 : vector<1x32x128xf32> to vector<32x128xf32>
      %broadcast_in_dim3A_1086 = vector.shape_cast %eq3A_914 : vector<1x128xi1> to vector<1x128xi1>
      %broadcast_in_dim3A_1087 = vector.broadcast %broadcast_in_dim3A_1086 : vector<1x128xi1> to vector<32x128xi1>
      %select_n3A_1088 = arith.select %broadcast_in_dim3A_1087, %add3A_1080, %get3A_1085 : vector<32x128xi1>, vector<32x128xf32>
      %swap3A_1089 = arith.constant 1 : index
      %swap3A_1090 = arith.constant 96 : index
      %swap3A_1091 = arith.constant 0 : index
      %swap3A_1092 = vector.load %arg13[%swap3A_1089, %swap3A_1090, %swap3A_1091] : memref<2x128x128xf32, #tpu.memory_space<vmem>>, vector<1x32x128xf32>
      %swap3A_1093 = vector.shape_cast %swap3A_1092 : vector<1x32x128xf32> to vector<32x128xf32>
      %swap3A_1094 = vector.shape_cast %select_n3A_1088 : vector<32x128xf32> to vector<1x32x128xf32>
      tpu.vector_store %arg13[%swap3A_1089, %swap3A_1090, %swap3A_1091], %swap3A_1094 {strides = array<i32>} : memref<2x128x128xf32, #tpu.memory_space<vmem>>, vector<1x32x128xf32>,
    }
    %get3A_76 = arith.constant 0 : index
    %get3A_77 = arith.constant 0 : index
    %get3A_78 = arith.constant 0 : index
    %get3A_79 = vector.load %arg0[%get3A_76, %get3A_77, %get3A_78] : memref<2x128x2048xf32, #tpu.memory_space<vmem>>, vector<1x128x128xf32>
    %get3A_80 = vector.shape_cast %get3A_79 : vector<1x128x128xf32> to vector<128x128xf32>
    %get3A_81 = arith.constant 0 : index
    %get3A_82 = arith.constant 0 : index
    %get3A_83 = vector.load %arg4[%get3A_81, %get3A_82] : memref<128x128xf32, #tpu.memory_space<vmem>>, vector<128x128xf32>
    %dot_general3A_84 = arith.constant dense<0.000000e+00> : vector<128x128xf32>
    %dot_general3A_85 = tpu.matmul %get3A_83, %get3A_80, %dot_general3A_84 {dimension_numbers = #tpu.dot_dimension_numbers<[1], [0], [0], [1], [0, 0, 1, 1], [], []>, transpose_lhs_hint = false} : vector<128x128xf32>, vector<128x128xf32>, vector<128x128xf32> -> vector<128x128xf32>
    %get3A_86 = arith.constant 0 : index
    %get3A_87 = arith.constant 0 : index
    %get3A_88 = vector.load %arg5[%get3A_86, %get3A_87] : memref<128x128xf32, #tpu.memory_space<vmem>>, vector<128x128xf32>
    %dot_general3A_89 = arith.constant dense<0.000000e+00> : vector<128x128xf32>
    %dot_general3A_90 = tpu.matmul %get3A_88, %get3A_80, %dot_general3A_89 {dimension_numbers = #tpu.dot_dimension_numbers<[1], [0], [0], [1], [0, 0, 1, 1], [], []>, transpose_lhs_hint = false} : vector<128x128xf32>, vector<128x128xf32>, vector<128x128xf32> -> vector<128x128xf32>
    %get3A_91 = arith.constant 0 : index
    %get3A_92 = arith.constant 0 : index
    %get3A_93 = vector.load %arg4[%get3A_91, %get3A_92] : memref<128x128xf32, #tpu.memory_space<vmem>>, vector<128x128xf32>
    %get3A_94 = arith.constant 0 : index
    %get3A_95 = arith.constant 0 : index
    %get3A_96 = arith.constant 0 : index
    %get3A_97 = vector.load %arg13[%get3A_94, %get3A_95, %get3A_96] : memref<2x128x128xf32, #tpu.memory_space<vmem>>, vector<1x128x128xf32>
    %get3A_98 = vector.shape_cast %get3A_97 : vector<1x128x128xf32> to vector<128x128xf32>
    %dot_general3A_99 = arith.constant dense<0.000000e+00> : vector<128x128xf32>
    %dot_general3A_100 = tpu.matmul %get3A_93, %get3A_98, %dot_general3A_99 {dimension_numbers = #tpu.dot_dimension_numbers<[1], [0], [0], [1], [0, 0, 1, 1], [], []>, transpose_lhs_hint = false} : vector<128x128xf32>, vector<128x128xf32>, vector<128x128xf32> -> vector<128x128xf32>
    %get3A_101 = arith.constant 0 : index
    %get3A_102 = arith.constant 0 : index
    %get3A_103 = vector.load %arg5[%get3A_101, %get3A_102] : memref<128x128xf32, #tpu.memory_space<vmem>>, vector<128x128xf32>
    %get3A_104 = arith.constant 0 : index
    %get3A_105 = arith.constant 0 : index
    %get3A_106 = arith.constant 0 : index
    %get3A_107 = vector.load %arg13[%get3A_104, %get3A_105, %get3A_106] : memref<2x128x128xf32, #tpu.memory_space<vmem>>, vector<1x128x128xf32>
    %get3A_108 = vector.shape_cast %get3A_107 : vector<1x128x128xf32> to vector<128x128xf32>
    %dot_general3A_109 = arith.constant dense<0.000000e+00> : vector<128x128xf32>
    %dot_general3A_110 = tpu.matmul %get3A_103, %get3A_108, %dot_general3A_109 {dimension_numbers = #tpu.dot_dimension_numbers<[1], [0], [0], [1], [0, 0, 1, 1], [], []>, transpose_lhs_hint = false} : vector<128x128xf32>, vector<128x128xf32>, vector<128x128xf32> -> vector<128x128xf32>
    %get3A_111 = arith.constant 0 : index
    %get3A_112 = arith.constant 0 : index
    %get3A_113 = arith.constant 0 : index
    %get3A_114 = vector.load %arg1[%get3A_111, %get3A_112, %get3A_113] : memref<2x1x2048xi32, #tpu.memory_space<vmem>>, vector<1x1x2048xi32>
    %get3A_115 = vector.shape_cast %get3A_114 : vector<1x1x2048xi32> to vector<1x2048xi32>
    %get3A_116 = arith.constant 0 : index
    %get3A_117 = arith.constant 0 : index
    %get3A_118 = arith.constant 0 : index
    %get3A_119 = vector.load %arg2[%get3A_116, %get3A_117, %get3A_118] : memref<2x128x1xi32, #tpu.memory_space<vmem>>, vector<1x128x1xi32>
    %get3A_120 = vector.shape_cast %get3A_119 : vector<1x128x1xi32> to vector<128x1xi32>
    %lt3A_121 = vector.broadcast %get3A_120 : vector<128x1xi32> to vector<128x2048xi32>
    %lt3A_122 = vector.broadcast %get3A_115 : vector<1x2048xi32> to vector<128x2048xi32>
    %lt3A_123 = arith.cmpi slt, %lt3A_121, %lt3A_122 : vector<128x2048xi32>
    %lt3A_124 = arith.constant 2048 : i32
    %lt3A_125 = vector.broadcast %lt3A_124 : i32 to vector<1x2048xi32>
    %lt3A_126 = arith.cmpi slt, %get3A_115, %lt3A_125 : vector<1x2048xi32>
    %get3A_127 = arith.constant 0 : index
    %get3A_128 = arith.constant 0 : index
    %get3A_129 = arith.constant 0 : index
    %get3A_130 = vector.load %arg12[%get3A_127, %get3A_128, %get3A_129] : memref<2x128x2048xf32, #tpu.memory_space<vmem>>, vector<1x32x2048xf32>
    %get3A_131 = vector.shape_cast %get3A_130 : vector<1x32x2048xf32> to vector<32x2048xf32>
    %slice3A = vector.extract_strided_slice %dot_general3A_85 {offsets = [0, 0], sizes = [32, 128], strides = [1, 1]} : vector<128x128xf32> to vector<32x128xf32>
    %slice3A_132 = vector.extract_strided_slice %dot_general3A_100 {offsets = [0, 0], sizes = [32, 128], strides = [1, 1]} : vector<128x128xf32> to vector<32x128xf32>
    %concatenate3A = tpu.concatenate %slice3A, %slice3A_132 in 1 : vector<32x128xf32>, vector<32x128xf32> -> vector<32x256xf32>
    %dot_general3A_133 = arith.constant dense<0.000000e+00> : vector<256x2048xf32>
    %dot_general3A_134 = tpu.matmul %concatenate3A, %get3A_131, %dot_general3A_133 {dimension_numbers = #tpu.dot_dimension_numbers<[0], [0], [1], [1], [0, 1, 1, 1], [], []>, transpose_lhs_hint = false} : vector<32x256xf32>, vector<32x2048xf32>, vector<256x2048xf32> -> vector<256x2048xf32>
    %slice3A_135 = vector.extract_strided_slice %dot_general3A_134 {offsets = [128, 0], sizes = [128, 2048], strides = [1, 1]} : vector<256x2048xf32> to vector<128x2048xf32>
    %slice3A_136 = vector.extract_strided_slice %dot_general3A_134 {offsets = [0, 0], sizes = [128, 2048], strides = [1, 1]} : vector<256x2048xf32> to vector<128x2048xf32>
    %select_n3A_137 = arith.select %lt3A_123, %slice3A_135, %slice3A_136 : vector<128x2048xi1>, vector<128x2048xf32>
    %reduce_max3A_138 = arith.constant dense<0xFF800000> : vector<2048xf32>
    %reduce_max3A_139 = vector.multi_reduction <maximumf>, %select_n3A_137, %reduce_max3A_138 [0] : vector<128x2048xf32> to vector<2048xf32>
    %broadcast_in_dim3A_140 = vector.shape_cast %reduce_max3A_139 : vector<2048xf32> to vector<1x2048xf32>
    %sub3A = vector.broadcast %broadcast_in_dim3A_140 : vector<1x2048xf32> to vector<128x2048xf32>
    %sub3A_141 = arith.subf %select_n3A_137, %sub3A : vector<128x2048xf32>
    %exp23A = math.exp2 %sub3A_141 : vector<128x2048xf32>
    %jit3A_142 = arith.constant 0.000000e+00 : f32
    %broadcast_in_dim3A_143 = vector.broadcast %jit3A_142 : f32 to vector<128x2048xf32>
    %select_n3A_144 = arith.select %lt3A_123, %exp23A, %broadcast_in_dim3A_143 : vector<128x2048xi1>, vector<128x2048xf32>
    %sub3A_145 = arith.subf %exp23A, %select_n3A_144 : vector<128x2048xf32>
    %slice3A_146 = vector.extract_strided_slice %dot_general3A_110 {offsets = [0, 0], sizes = [32, 128], strides = [1, 1]} : vector<128x128xf32> to vector<32x128xf32>
    %dot_general3A_147 = arith.constant dense<0.000000e+00> : vector<32x2048xf32>
    %dot_general3A_148 = tpu.matmul %slice3A_146, %select_n3A_144, %dot_general3A_147 {dimension_numbers = #tpu.dot_dimension_numbers<[1], [0], [0], [1], [0, 0, 1, 1], [], []>, transpose_lhs_hint = false} : vector<32x128xf32>, vector<128x2048xf32>, vector<32x2048xf32> -> vector<32x2048xf32>
    %slice3A_149 = vector.extract_strided_slice %dot_general3A_90 {offsets = [0, 0], sizes = [32, 128], strides = [1, 1]} : vector<128x128xf32> to vector<32x128xf32>
    %dot_general3A_150 = arith.constant dense<0.000000e+00> : vector<32x2048xf32>
    %dot_general3A_151 = tpu.matmul %slice3A_149, %sub3A_145, %dot_general3A_150 {dimension_numbers = #tpu.dot_dimension_numbers<[1], [0], [0], [1], [0, 0, 1, 1], [], []>, transpose_lhs_hint = false} : vector<32x128xf32>, vector<128x2048xf32>, vector<32x2048xf32> -> vector<32x2048xf32>
    %add3A_152 = arith.addf %dot_general3A_148, %dot_general3A_151 : vector<32x2048xf32>
    %reduce_sum3A = arith.constant dense<0.000000e+00> : vector<2048xf32>
    %reduce_sum3A_153 = vector.multi_reduction <add>, %exp23A, %reduce_sum3A [0] : vector<128x2048xf32> to vector<2048xf32>
    %broadcast_in_dim3A_154 = vector.shape_cast %reduce_sum3A_153 : vector<2048xf32> to vector<1x2048xf32>
    %div3A = arith.constant 1.000000e+00 : f32
    %div3A_155 = vector.broadcast %div3A : f32 to vector<1x2048xf32>
    %div3A_156 = arith.divf %div3A_155, %broadcast_in_dim3A_154 : vector<1x2048xf32>
    %mul3A_157 = vector.broadcast %div3A_156 : vector<1x2048xf32> to vector<32x2048xf32>
    %mul3A_158 = arith.mulf %add3A_152, %mul3A_157 : vector<32x2048xf32>
    %get3A_159 = arith.constant 0 : index
    %get3A_160 = arith.constant 0 : index
    %get3A_161 = arith.constant 0 : index
    %get3A_162 = vector.load %arg0[%get3A_159, %get3A_160, %get3A_161] : memref<2x128x2048xf32, #tpu.memory_space<vmem>>, vector<1x32x2048xf32>
    %get3A_163 = vector.shape_cast %get3A_162 : vector<1x32x2048xf32> to vector<32x2048xf32>
    %add3A_164 = arith.addf %mul3A_158, %get3A_163 : vector<32x2048xf32>
    %broadcast_in_dim3A_165 = vector.shape_cast %lt3A_126 : vector<1x2048xi1> to vector<1x2048xi1>
    %broadcast_in_dim3A_166 = vector.broadcast %broadcast_in_dim3A_165 : vector<1x2048xi1> to vector<32x2048xi1>
    %select_n3A_167 = arith.select %broadcast_in_dim3A_166, %add3A_164, %get3A_163 : vector<32x2048xi1>, vector<32x2048xf32>
    %swap3A_168 = arith.constant 0 : index
    %swap3A_169 = arith.constant 0 : index
    %swap3A_170 = arith.constant 0 : index
    %swap3A_171 = vector.load %arg10[%swap3A_168, %swap3A_169, %swap3A_170] : memref<2x128x2048xf32, #tpu.memory_space<vmem>>, vector<1x32x2048xf32>
    %swap3A_172 = vector.shape_cast %swap3A_171 : vector<1x32x2048xf32> to vector<32x2048xf32>
    %swap3A_173 = vector.shape_cast %select_n3A_167 : vector<32x2048xf32> to vector<1x32x2048xf32>
    tpu.vector_store %arg10[%swap3A_168, %swap3A_169, %swap3A_170], %swap3A_173 {strides = array<i32>} : memref<2x128x2048xf32, #tpu.memory_space<vmem>>, vector<1x32x2048xf32>,
    %get3A_174 = arith.constant 0 : index
    %get3A_175 = arith.constant 32 : index
    %get3A_176 = arith.constant 0 : index
    %get3A_177 = vector.load %arg12[%get3A_174, %get3A_175, %get3A_176] : memref<2x128x2048xf32, #tpu.memory_space<vmem>>, vector<1x32x2048xf32>
    %get3A_178 = vector.shape_cast %get3A_177 : vector<1x32x2048xf32> to vector<32x2048xf32>
    %slice3A_179 = vector.extract_strided_slice %dot_general3A_85 {offsets = [32, 0], sizes = [32, 128], strides = [1, 1]} : vector<128x128xf32> to vector<32x128xf32>
    %slice3A_180 = vector.extract_strided_slice %dot_general3A_100 {offsets = [32, 0], sizes = [32, 128], strides = [1, 1]} : vector<128x128xf32> to vector<32x128xf32>
    %concatenate3A_181 = tpu.concatenate %slice3A_179, %slice3A_180 in 1 : vector<32x128xf32>, vector<32x128xf32> -> vector<32x256xf32>
    %dot_general3A_182 = arith.constant dense<0.000000e+00> : vector<256x2048xf32>
    %dot_general3A_183 = tpu.matmul %concatenate3A_181, %get3A_178, %dot_general3A_182 {dimension_numbers = #tpu.dot_dimension_numbers<[0], [0], [1], [1], [0, 1, 1, 1], [], []>, transpose_lhs_hint = false} : vector<32x256xf32>, vector<32x2048xf32>, vector<256x2048xf32> -> vector<256x2048xf32>
    %slice3A_184 = vector.extract_strided_slice %dot_general3A_183 {offsets = [128, 0], sizes = [128, 2048], strides = [1, 1]} : vector<256x2048xf32> to vector<128x2048xf32>
    %slice3A_185 = vector.extract_strided_slice %dot_general3A_183 {offsets = [0, 0], sizes = [128, 2048], strides = [1, 1]} : vector<256x2048xf32> to vector<128x2048xf32>
    %select_n3A_186 = arith.select %lt3A_123, %slice3A_184, %slice3A_185 : vector<128x2048xi1>, vector<128x2048xf32>
    %reduce_max3A_187 = arith.constant dense<0xFF800000> : vector<2048xf32>
    %reduce_max3A_188 = vector.multi_reduction <maximumf>, %select_n3A_186, %reduce_max3A_187 [0] : vector<128x2048xf32> to vector<2048xf32>
    %broadcast_in_dim3A_189 = vector.shape_cast %reduce_max3A_188 : vector<2048xf32> to vector<1x2048xf32>
    %sub3A_190 = vector.broadcast %broadcast_in_dim3A_189 : vector<1x2048xf32> to vector<128x2048xf32>
    %sub3A_191 = arith.subf %select_n3A_186, %sub3A_190 : vector<128x2048xf32>
    %exp23A_192 = math.exp2 %sub3A_191 : vector<128x2048xf32>
    %jit3A_193 = arith.constant 0.000000e+00 : f32
    %broadcast_in_dim3A_194 = vector.broadcast %jit3A_193 : f32 to vector<128x2048xf32>
    %select_n3A_195 = arith.select %lt3A_123, %exp23A_192, %broadcast_in_dim3A_194 : vector<128x2048xi1>, vector<128x2048xf32>
    %sub3A_196 = arith.subf %exp23A_192, %select_n3A_195 : vector<128x2048xf32>
    %slice3A_197 = vector.extract_strided_slice %dot_general3A_110 {offsets = [32, 0], sizes = [32, 128], strides = [1, 1]} : vector<128x128xf32> to vector<32x128xf32>
    %dot_general3A_198 = arith.constant dense<0.000000e+00> : vector<32x2048xf32>
    %dot_general3A_199 = tpu.matmul %slice3A_197, %select_n3A_195, %dot_general3A_198 {dimension_numbers = #tpu.dot_dimension_numbers<[1], [0], [0], [1], [0, 0, 1, 1], [], []>, transpose_lhs_hint = false} : vector<32x128xf32>, vector<128x2048xf32>, vector<32x2048xf32> -> vector<32x2048xf32>
    %slice3A_200 = vector.extract_strided_slice %dot_general3A_90 {offsets = [32, 0], sizes = [32, 128], strides = [1, 1]} : vector<128x128xf32> to vector<32x128xf32>
    %dot_general3A_201 = arith.constant dense<0.000000e+00> : vector<32x2048xf32>
    %dot_general3A_202 = tpu.matmul %slice3A_200, %sub3A_196, %dot_general3A_201 {dimension_numbers = #tpu.dot_dimension_numbers<[1], [0], [0], [1], [0, 0, 1, 1], [], []>, transpose_lhs_hint = false} : vector<32x128xf32>, vector<128x2048xf32>, vector<32x2048xf32> -> vector<32x2048xf32>
    %add3A_203 = arith.addf %dot_general3A_199, %dot_general3A_202 : vector<32x2048xf32>
    %reduce_sum3A_204 = arith.constant dense<0.000000e+00> : vector<2048xf32>
    %reduce_sum3A_205 = vector.multi_reduction <add>, %exp23A_192, %reduce_sum3A_204 [0] : vector<128x2048xf32> to vector<2048xf32>
    %broadcast_in_dim3A_206 = vector.shape_cast %reduce_sum3A_205 : vector<2048xf32> to vector<1x2048xf32>
    %div3A_207 = arith.constant 1.000000e+00 : f32
    %div3A_208 = vector.broadcast %div3A_207 : f32 to vector<1x2048xf32>
    %div3A_209 = arith.divf %div3A_208, %broadcast_in_dim3A_206 : vector<1x2048xf32>
    %mul3A_210 = vector.broadcast %div3A_209 : vector<1x2048xf32> to vector<32x2048xf32>
    %mul3A_211 = arith.mulf %add3A_203, %mul3A_210 : vector<32x2048xf32>
    %get3A_212 = arith.constant 0 : index
    %get3A_213 = arith.constant 32 : index
    %get3A_214 = arith.constant 0 : index
    %get3A_215 = vector.load %arg0[%get3A_212, %get3A_213, %get3A_214] : memref<2x128x2048xf32, #tpu.memory_space<vmem>>, vector<1x32x2048xf32>
    %get3A_216 = vector.shape_cast %get3A_215 : vector<1x32x2048xf32> to vector<32x2048xf32>
    %add3A_217 = arith.addf %mul3A_211, %get3A_216 : vector<32x2048xf32>
    %broadcast_in_dim3A_218 = vector.shape_cast %lt3A_126 : vector<1x2048xi1> to vector<1x2048xi1>
    %broadcast_in_dim3A_219 = vector.broadcast %broadcast_in_dim3A_218 : vector<1x2048xi1> to vector<32x2048xi1>
    %select_n3A_220 = arith.select %broadcast_in_dim3A_219, %add3A_217, %get3A_216 : vector<32x2048xi1>, vector<32x2048xf32>
    %swap3A_221 = arith.constant 0 : index
    %swap3A_222 = arith.constant 32 : index
    %swap3A_223 = arith.constant 0 : index
    %swap3A_224 = vector.load %arg10[%swap3A_221, %swap3A_222, %swap3A_223] : memref<2x128x2048xf32, #tpu.memory_space<vmem>>, vector<1x32x2048xf32>
    %swap3A_225 = vector.shape_cast %swap3A_224 : vector<1x32x2048xf32> to vector<32x2048xf32>
    %swap3A_226 = vector.shape_cast %select_n3A_220 : vector<32x2048xf32> to vector<1x32x2048xf32>
    tpu.vector_store %arg10[%swap3A_221, %swap3A_222, %swap3A_223], %swap3A_226 {strides = array<i32>} : memref<2x128x2048xf32, #tpu.memory_space<vmem>>, vector<1x32x2048xf32>,
    %get3A_227 = arith.constant 0 : index
    %get3A_228 = arith.constant 64 : index
    %get3A_229 = arith.constant 0 : index
    %get3A_230 = vector.load %arg12[%get3A_227, %get3A_228, %get3A_229] : memref<2x128x2048xf32, #tpu.memory_space<vmem>>, vector<1x32x2048xf32>
    %get3A_231 = vector.shape_cast %get3A_230 : vector<1x32x2048xf32> to vector<32x2048xf32>
    %slice3A_232 = vector.extract_strided_slice %dot_general3A_85 {offsets = [64, 0], sizes = [32, 128], strides = [1, 1]} : vector<128x128xf32> to vector<32x128xf32>
    %slice3A_233 = vector.extract_strided_slice %dot_general3A_100 {offsets = [64, 0], sizes = [32, 128], strides = [1, 1]} : vector<128x128xf32> to vector<32x128xf32>
    %concatenate3A_234 = tpu.concatenate %slice3A_232, %slice3A_233 in 1 : vector<32x128xf32>, vector<32x128xf32> -> vector<32x256xf32>
    %dot_general3A_235 = arith.constant dense<0.000000e+00> : vector<256x2048xf32>
    %dot_general3A_236 = tpu.matmul %concatenate3A_234, %get3A_231, %dot_general3A_235 {dimension_numbers = #tpu.dot_dimension_numbers<[0], [0], [1], [1], [0, 1, 1, 1], [], []>, transpose_lhs_hint = false} : vector<32x256xf32>, vector<32x2048xf32>, vector<256x2048xf32> -> vector<256x2048xf32>
    %slice3A_237 = vector.extract_strided_slice %dot_general3A_236 {offsets = [128, 0], sizes = [128, 2048], strides = [1, 1]} : vector<256x2048xf32> to vector<128x2048xf32>
    %slice3A_238 = vector.extract_strided_slice %dot_general3A_236 {offsets = [0, 0], sizes = [128, 2048], strides = [1, 1]} : vector<256x2048xf32> to vector<128x2048xf32>
    %select_n3A_239 = arith.select %lt3A_123, %slice3A_237, %slice3A_238 : vector<128x2048xi1>, vector<128x2048xf32>
    %reduce_max3A_240 = arith.constant dense<0xFF800000> : vector<2048xf32>
    %reduce_max3A_241 = vector.multi_reduction <maximumf>, %select_n3A_239, %reduce_max3A_240 [0] : vector<128x2048xf32> to vector<2048xf32>
    %broadcast_in_dim3A_242 = vector.shape_cast %reduce_max3A_241 : vector<2048xf32> to vector<1x2048xf32>
    %sub3A_243 = vector.broadcast %broadcast_in_dim3A_242 : vector<1x2048xf32> to vector<128x2048xf32>
    %sub3A_244 = arith.subf %select_n3A_239, %sub3A_243 : vector<128x2048xf32>
    %exp23A_245 = math.exp2 %sub3A_244 : vector<128x2048xf32>
    %jit3A_246 = arith.constant 0.000000e+00 : f32
    %broadcast_in_dim3A_247 = vector.broadcast %jit3A_246 : f32 to vector<128x2048xf32>
    %select_n3A_248 = arith.select %lt3A_123, %exp23A_245, %broadcast_in_dim3A_247 : vector<128x2048xi1>, vector<128x2048xf32>
    %sub3A_249 = arith.subf %exp23A_245, %select_n3A_248 : vector<128x2048xf32>
    %slice3A_250 = vector.extract_strided_slice %dot_general3A_110 {offsets = [64, 0], sizes = [32, 128], strides = [1, 1]} : vector<128x128xf32> to vector<32x128xf32>
    %dot_general3A_251 = arith.constant dense<0.000000e+00> : vector<32x2048xf32>
    %dot_general3A_252 = tpu.matmul %slice3A_250, %select_n3A_248, %dot_general3A_251 {dimension_numbers = #tpu.dot_dimension_numbers<[1], [0], [0], [1], [0, 0, 1, 1], [], []>, transpose_lhs_hint = false} : vector<32x128xf32>, vector<128x2048xf32>, vector<32x2048xf32> -> vector<32x2048xf32>
    %slice3A_253 = vector.extract_strided_slice %dot_general3A_90 {offsets = [64, 0], sizes = [32, 128], strides = [1, 1]} : vector<128x128xf32> to vector<32x128xf32>
    %dot_general3A_254 = arith.constant dense<0.000000e+00> : vector<32x2048xf32>
    %dot_general3A_255 = tpu.matmul %slice3A_253, %sub3A_249, %dot_general3A_254 {dimension_numbers = #tpu.dot_dimension_numbers<[1], [0], [0], [1], [0, 0, 1, 1], [], []>, transpose_lhs_hint = false} : vector<32x128xf32>, vector<128x2048xf32>, vector<32x2048xf32> -> vector<32x2048xf32>
    %add3A_256 = arith.addf %dot_general3A_252, %dot_general3A_255 : vector<32x2048xf32>
    %reduce_sum3A_257 = arith.constant dense<0.000000e+00> : vector<2048xf32>
    %reduce_sum3A_258 = vector.multi_reduction <add>, %exp23A_245, %reduce_sum3A_257 [0] : vector<128x2048xf32> to vector<2048xf32>
    %broadcast_in_dim3A_259 = vector.shape_cast %reduce_sum3A_258 : vector<2048xf32> to vector<1x2048xf32>
    %div3A_260 = arith.constant 1.000000e+00 : f32
    %div3A_261 = vector.broadcast %div3A_260 : f32 to vector<1x2048xf32>
    %div3A_262 = arith.divf %div3A_261, %broadcast_in_dim3A_259 : vector<1x2048xf32>
    %mul3A_263 = vector.broadcast %div3A_262 : vector<1x2048xf32> to vector<32x2048xf32>
    %mul3A_264 = arith.mulf %add3A_256, %mul3A_263 : vector<32x2048xf32>
    %get3A_265 = arith.constant 0 : index
    %get3A_266 = arith.constant 64 : index
    %get3A_267 = arith.constant 0 : index
    %get3A_268 = vector.load %arg0[%get3A_265, %get3A_266, %get3A_267] : memref<2x128x2048xf32, #tpu.memory_space<vmem>>, vector<1x32x2048xf32>
    %get3A_269 = vector.shape_cast %get3A_268 : vector<1x32x2048xf32> to vector<32x2048xf32>
    %add3A_270 = arith.addf %mul3A_264, %get3A_269 : vector<32x2048xf32>
    %broadcast_in_dim3A_271 = vector.shape_cast %lt3A_126 : vector<1x2048xi1> to vector<1x2048xi1>
    %broadcast_in_dim3A_272 = vector.broadcast %broadcast_in_dim3A_271 : vector<1x2048xi1> to vector<32x2048xi1>
    %select_n3A_273 = arith.select %broadcast_in_dim3A_272, %add3A_270, %get3A_269 : vector<32x2048xi1>, vector<32x2048xf32>
    %swap3A_274 = arith.constant 0 : index
    %swap3A_275 = arith.constant 64 : index
    %swap3A_276 = arith.constant 0 : index
    %swap3A_277 = vector.load %arg10[%swap3A_274, %swap3A_275, %swap3A_276] : memref<2x128x2048xf32, #tpu.memory_space<vmem>>, vector<1x32x2048xf32>
    %swap3A_278 = vector.shape_cast %swap3A_277 : vector<1x32x2048xf32> to vector<32x2048xf32>
    %swap3A_279 = vector.shape_cast %select_n3A_273 : vector<32x2048xf32> to vector<1x32x2048xf32>
    tpu.vector_store %arg10[%swap3A_274, %swap3A_275, %swap3A_276], %swap3A_279 {strides = array<i32>} : memref<2x128x2048xf32, #tpu.memory_space<vmem>>, vector<1x32x2048xf32>,
    %get3A_280 = arith.constant 0 : index
    %get3A_281 = arith.constant 96 : index
    %get3A_282 = arith.constant 0 : index
    %get3A_283 = vector.load %arg12[%get3A_280, %get3A_281, %get3A_282] : memref<2x128x2048xf32, #tpu.memory_space<vmem>>, vector<1x32x2048xf32>
    %get3A_284 = vector.shape_cast %get3A_283 : vector<1x32x2048xf32> to vector<32x2048xf32>
    %slice3A_285 = vector.extract_strided_slice %dot_general3A_85 {offsets = [96, 0], sizes = [32, 128], strides = [1, 1]} : vector<128x128xf32> to vector<32x128xf32>
    %slice3A_286 = vector.extract_strided_slice %dot_general3A_100 {offsets = [96, 0], sizes = [32, 128], strides = [1, 1]} : vector<128x128xf32> to vector<32x128xf32>
    %concatenate3A_287 = tpu.concatenate %slice3A_285, %slice3A_286 in 1 : vector<32x128xf32>, vector<32x128xf32> -> vector<32x256xf32>
    %dot_general3A_288 = arith.constant dense<0.000000e+00> : vector<256x2048xf32>
    %dot_general3A_289 = tpu.matmul %concatenate3A_287, %get3A_284, %dot_general3A_288 {dimension_numbers = #tpu.dot_dimension_numbers<[0], [0], [1], [1], [0, 1, 1, 1], [], []>, transpose_lhs_hint = false} : vector<32x256xf32>, vector<32x2048xf32>, vector<256x2048xf32> -> vector<256x2048xf32>
    %slice3A_290 = vector.extract_strided_slice %dot_general3A_289 {offsets = [128, 0], sizes = [128, 2048], strides = [1, 1]} : vector<256x2048xf32> to vector<128x2048xf32>
    %slice3A_291 = vector.extract_strided_slice %dot_general3A_289 {offsets = [0, 0], sizes = [128, 2048], strides = [1, 1]} : vector<256x2048xf32> to vector<128x2048xf32>
    %select_n3A_292 = arith.select %lt3A_123, %slice3A_290, %slice3A_291 : vector<128x2048xi1>, vector<128x2048xf32>
    %reduce_max3A_293 = arith.constant dense<0xFF800000> : vector<2048xf32>
    %reduce_max3A_294 = vector.multi_reduction <maximumf>, %select_n3A_292, %reduce_max3A_293 [0] : vector<128x2048xf32> to vector<2048xf32>
    %broadcast_in_dim3A_295 = vector.shape_cast %reduce_max3A_294 : vector<2048xf32> to vector<1x2048xf32>
    %sub3A_296 = vector.broadcast %broadcast_in_dim3A_295 : vector<1x2048xf32> to vector<128x2048xf32>
    %sub3A_297 = arith.subf %select_n3A_292, %sub3A_296 : vector<128x2048xf32>
    %exp23A_298 = math.exp2 %sub3A_297 : vector<128x2048xf32>
    %jit3A_299 = arith.constant 0.000000e+00 : f32
    %broadcast_in_dim3A_300 = vector.broadcast %jit3A_299 : f32 to vector<128x2048xf32>
    %select_n3A_301 = arith.select %lt3A_123, %exp23A_298, %broadcast_in_dim3A_300 : vector<128x2048xi1>, vector<128x2048xf32>
    %sub3A_302 = arith.subf %exp23A_298, %select_n3A_301 : vector<128x2048xf32>
    %slice3A_303 = vector.extract_strided_slice %dot_general3A_110 {offsets = [96, 0], sizes = [32, 128], strides = [1, 1]} : vector<128x128xf32> to vector<32x128xf32>
    %dot_general3A_304 = arith.constant dense<0.000000e+00> : vector<32x2048xf32>
    %dot_general3A_305 = tpu.matmul %slice3A_303, %select_n3A_301, %dot_general3A_304 {dimension_numbers = #tpu.dot_dimension_numbers<[1], [0], [0], [1], [0, 0, 1, 1], [], []>, transpose_lhs_hint = false} : vector<32x128xf32>, vector<128x2048xf32>, vector<32x2048xf32> -> vector<32x2048xf32>
    %slice3A_306 = vector.extract_strided_slice %dot_general3A_90 {offsets = [96, 0], sizes = [32, 128], strides = [1, 1]} : vector<128x128xf32> to vector<32x128xf32>
    %dot_general3A_307 = arith.constant dense<0.000000e+00> : vector<32x2048xf32>
    %dot_general3A_308 = tpu.matmul %slice3A_306, %sub3A_302, %dot_general3A_307 {dimension_numbers = #tpu.dot_dimension_numbers<[1], [0], [0], [1], [0, 0, 1, 1], [], []>, transpose_lhs_hint = false} : vector<32x128xf32>, vector<128x2048xf32>, vector<32x2048xf32> -> vector<32x2048xf32>
    %add3A_309 = arith.addf %dot_general3A_305, %dot_general3A_308 : vector<32x2048xf32>
    %reduce_sum3A_310 = arith.constant dense<0.000000e+00> : vector<2048xf32>
    %reduce_sum3A_311 = vector.multi_reduction <add>, %exp23A_298, %reduce_sum3A_310 [0] : vector<128x2048xf32> to vector<2048xf32>
    %broadcast_in_dim3A_312 = vector.shape_cast %reduce_sum3A_311 : vector<2048xf32> to vector<1x2048xf32>
    %div3A_313 = arith.constant 1.000000e+00 : f32
    %div3A_314 = vector.broadcast %div3A_313 : f32 to vector<1x2048xf32>
    %div3A_315 = arith.divf %div3A_314, %broadcast_in_dim3A_312 : vector<1x2048xf32>
    %mul3A_316 = vector.broadcast %div3A_315 : vector<1x2048xf32> to vector<32x2048xf32>
    %mul3A_317 = arith.mulf %add3A_309, %mul3A_316 : vector<32x2048xf32>
    %get3A_318 = arith.constant 0 : index
    %get3A_319 = arith.constant 96 : index
    %get3A_320 = arith.constant 0 : index
    %get3A_321 = vector.load %arg0[%get3A_318, %get3A_319, %get3A_320] : memref<2x128x2048xf32, #tpu.memory_space<vmem>>, vector<1x32x2048xf32>
    %get3A_322 = vector.shape_cast %get3A_321 : vector<1x32x2048xf32> to vector<32x2048xf32>
    %add3A_323 = arith.addf %mul3A_317, %get3A_322 : vector<32x2048xf32>
    %broadcast_in_dim3A_324 = vector.shape_cast %lt3A_126 : vector<1x2048xi1> to vector<1x2048xi1>
    %broadcast_in_dim3A_325 = vector.broadcast %broadcast_in_dim3A_324 : vector<1x2048xi1> to vector<32x2048xi1>
    %select_n3A_326 = arith.select %broadcast_in_dim3A_325, %add3A_323, %get3A_322 : vector<32x2048xi1>, vector<32x2048xf32>
    %swap3A_327 = arith.constant 0 : index
    %swap3A_328 = arith.constant 96 : index
    %swap3A_329 = arith.constant 0 : index
    %swap3A_330 = vector.load %arg10[%swap3A_327, %swap3A_328, %swap3A_329] : memref<2x128x2048xf32, #tpu.memory_space<vmem>>, vector<1x32x2048xf32>
    %swap3A_331 = vector.shape_cast %swap3A_330 : vector<1x32x2048xf32> to vector<32x2048xf32>
    %swap3A_332 = vector.shape_cast %select_n3A_326 : vector<32x2048xf32> to vector<1x32x2048xf32>
    tpu.vector_store %arg10[%swap3A_327, %swap3A_328, %swap3A_329], %swap3A_332 {strides = array<i32>} : memref<2x128x2048xf32, #tpu.memory_space<vmem>>, vector<1x32x2048xf32>,
    %get3A_333 = arith.constant 0 : index
    %get3A_334 = arith.constant 0 : index
    %get3A_335 = arith.constant 0 : index
    %get3A_336 = vector.load %arg10[%get3A_333, %get3A_334, %get3A_335] : memref<2x128x2048xf32, #tpu.memory_space<vmem>>, vector<1x128x2048xf32>
    %get3A_337 = vector.shape_cast %get3A_336 : vector<1x128x2048xf32> to vector<128x2048xf32>
    %get3A_338 = arith.constant 0 : index
    %get3A_339 = arith.constant 0 : index
    %get3A_340 = vector.load %arg6[%get3A_338, %get3A_339] : memref<128x128xf32, #tpu.memory_space<vmem>>, vector<128x128xf32>
    %dot_general3A_341 = arith.constant dense<0.000000e+00> : vector<128x2048xf32>
    %dot_general3A_342 = tpu.matmul %get3A_340, %get3A_337, %dot_general3A_341 {dimension_numbers = #tpu.dot_dimension_numbers<[1], [0], [0], [1], [0, 0, 1, 1], [], []>, transpose_lhs_hint = false} : vector<128x128xf32>, vector<128x2048xf32>, vector<128x2048xf32> -> vector<128x2048xf32>
    %get3A_343 = arith.constant 0 : index
    %get3A_344 = arith.constant 0 : index
    %get3A_345 = vector.load %arg7[%get3A_343, %get3A_344] : memref<128x1xf32, #tpu.memory_space<vmem>>, vector<128x1xf32>
    %add3A_346 = vector.broadcast %get3A_345 : vector<128x1xf32> to vector<128x2048xf32>
    %add3A_347 = arith.addf %dot_general3A_342, %add3A_346 : vector<128x2048xf32>
    %max3A = arith.constant 0.000000e+00 : f32
    %max3A_348 = vector.broadcast %max3A : f32 to vector<128x2048xf32>
    %max3A_349 = arith.maximumf %add3A_347, %max3A_348 : vector<128x2048xf32>
    %get3A_350 = arith.constant 0 : index
    %get3A_351 = arith.constant 0 : index
    %get3A_352 = vector.load %arg8[%get3A_350, %get3A_351] : memref<1x128xf32, #tpu.memory_space<vmem>>, vector<1x128xf32>
    %dot_general3A_353 = arith.constant dense<0.000000e+00> : vector<1x2048xf32>
    %dot_general3A_354 = tpu.matmul %get3A_352, %max3A_349, %dot_general3A_353 {dimension_numbers = #tpu.dot_dimension_numbers<[1], [0], [0], [1], [0, 0, 1, 1], [], []>, transpose_lhs_hint = false} : vector<1x128xf32>, vector<128x2048xf32>, vector<1x2048xf32> -> vector<1x2048xf32>
    %get3A_355 = arith.constant 0 : index
    %get3A_356 = arith.constant 0 : index
    %get3A_357 = vector.load %arg9[%get3A_355, %get3A_356] : memref<1x1xf32, #tpu.memory_space<vmem>>, vector<1x1xf32>
    %add3A_358 = vector.broadcast %get3A_357 : vector<1x1xf32> to vector<1x2048xf32>
    %add3A_359 = arith.addf %dot_general3A_354, %add3A_358 : vector<1x2048xf32>
    %neg3A = arith.constant 0.000000e+00 : f32
    %neg3A_360 = vector.broadcast %neg3A : f32 to vector<1x2048xf32>
    %neg3A_361 = arith.subf %neg3A_360, %add3A_359 : vector<1x2048xf32>
    %exp3A = math.exp %neg3A_361 : vector<1x2048xf32>
    %add3A_362 = arith.constant 1.000000e+00 : f32
    %add3A_363 = vector.broadcast %add3A_362 : f32 to vector<1x2048xf32>
    %add3A_364 = arith.addf %add3A_363, %exp3A : vector<1x2048xf32>
    %div3A_365 = arith.constant 1.000000e+00 : f32
    %div3A_366 = vector.broadcast %div3A_365 : f32 to vector<1x2048xf32>
    %div3A_367 = arith.divf %div3A_366, %add3A_364 : vector<1x2048xf32>
    %swap3A_368 = arith.constant 0 : index
    %swap3A_369 = arith.constant 0 : index
    %swap3A_370 = arith.constant 0 : index
    %swap3A_371 = vector.load %arg11[%swap3A_368, %swap3A_369, %swap3A_370] : memref<2x1x2048xf32, #tpu.memory_space<vmem>>, vector<1x1x2048xf32>
    %swap3A_372 = vector.shape_cast %swap3A_371 : vector<1x1x2048xf32> to vector<1x2048xf32>
    %swap3A_373 = vector.shape_cast %div3A_367 : vector<1x2048xf32> to vector<1x1x2048xf32>
    tpu.vector_store %arg11[%swap3A_368, %swap3A_369, %swap3A_370], %swap3A_373 {strides = array<i32>} : memref<2x1x2048xf32, #tpu.memory_space<vmem>>, vector<1x1x2048xf32>,
    %get3A_374 = arith.constant 1 : index
    %get3A_375 = arith.constant 0 : index
    %get3A_376 = arith.constant 0 : index
    %get3A_377 = vector.load %arg0[%get3A_374, %get3A_375, %get3A_376] : memref<2x128x2048xf32, #tpu.memory_space<vmem>>, vector<1x128x128xf32>
    %get3A_378 = vector.shape_cast %get3A_377 : vector<1x128x128xf32> to vector<128x128xf32>
    %get3A_379 = arith.constant 0 : index
    %get3A_380 = arith.constant 0 : index
    %get3A_381 = vector.load %arg4[%get3A_379, %get3A_380] : memref<128x128xf32, #tpu.memory_space<vmem>>, vector<128x128xf32>
    %dot_general3A_382 = arith.constant dense<0.000000e+00> : vector<128x128xf32>
    %dot_general3A_383 = tpu.matmul %get3A_381, %get3A_378, %dot_general3A_382 {dimension_numbers = #tpu.dot_dimension_numbers<[1], [0], [0], [1], [0, 0, 1, 1], [], []>, transpose_lhs_hint = false} : vector<128x128xf32>, vector<128x128xf32>, vector<128x128xf32> -> vector<128x128xf32>
    %get3A_384 = arith.constant 0 : index
    %get3A_385 = arith.constant 0 : index
    %get3A_386 = vector.load %arg5[%get3A_384, %get3A_385] : memref<128x128xf32, #tpu.memory_space<vmem>>, vector<128x128xf32>
    %dot_general3A_387 = arith.constant dense<0.000000e+00> : vector<128x128xf32>
    %dot_general3A_388 = tpu.matmul %get3A_386, %get3A_378, %dot_general3A_387 {dimension_numbers = #tpu.dot_dimension_numbers<[1], [0], [0], [1], [0, 0, 1, 1], [], []>, transpose_lhs_hint = false} : vector<128x128xf32>, vector<128x128xf32>, vector<128x128xf32> -> vector<128x128xf32>
    %get3A_389 = arith.constant 0 : index
    %get3A_390 = arith.constant 0 : index
    %get3A_391 = vector.load %arg4[%get3A_389, %get3A_390] : memref<128x128xf32, #tpu.memory_space<vmem>>, vector<128x128xf32>
    %get3A_392 = arith.constant 1 : index
    %get3A_393 = arith.constant 0 : index
    %get3A_394 = arith.constant 0 : index
    %get3A_395 = vector.load %arg13[%get3A_392, %get3A_393, %get3A_394] : memref<2x128x128xf32, #tpu.memory_space<vmem>>, vector<1x128x128xf32>
    %get3A_396 = vector.shape_cast %get3A_395 : vector<1x128x128xf32> to vector<128x128xf32>
    %dot_general3A_397 = arith.constant dense<0.000000e+00> : vector<128x128xf32>
    %dot_general3A_398 = tpu.matmul %get3A_391, %get3A_396, %dot_general3A_397 {dimension_numbers = #tpu.dot_dimension_numbers<[1], [0], [0], [1], [0, 0, 1, 1], [], []>, transpose_lhs_hint = false} : vector<128x128xf32>, vector<128x128xf32>, vector<128x128xf32> -> vector<128x128xf32>
    %get3A_399 = arith.constant 0 : index
    %get3A_400 = arith.constant 0 : index
    %get3A_401 = vector.load %arg5[%get3A_399, %get3A_400] : memref<128x128xf32, #tpu.memory_space<vmem>>, vector<128x128xf32>
    %get3A_402 = arith.constant 1 : index
    %get3A_403 = arith.constant 0 : index
    %get3A_404 = arith.constant 0 : index
    %get3A_405 = vector.load %arg13[%get3A_402, %get3A_403, %get3A_404] : memref<2x128x128xf32, #tpu.memory_space<vmem>>, vector<1x128x128xf32>
    %get3A_406 = vector.shape_cast %get3A_405 : vector<1x128x128xf32> to vector<128x128xf32>
    %dot_general3A_407 = arith.constant dense<0.000000e+00> : vector<128x128xf32>
    %dot_general3A_408 = tpu.matmul %get3A_401, %get3A_406, %dot_general3A_407 {dimension_numbers = #tpu.dot_dimension_numbers<[1], [0], [0], [1], [0, 0, 1, 1], [], []>, transpose_lhs_hint = false} : vector<128x128xf32>, vector<128x128xf32>, vector<128x128xf32> -> vector<128x128xf32>
    %get3A_409 = arith.constant 1 : index
    %get3A_410 = arith.constant 0 : index
    %get3A_411 = arith.constant 0 : index
    %get3A_412 = vector.load %arg1[%get3A_409, %get3A_410, %get3A_411] : memref<2x1x2048xi32, #tpu.memory_space<vmem>>, vector<1x1x2048xi32>
    %get3A_413 = vector.shape_cast %get3A_412 : vector<1x1x2048xi32> to vector<1x2048xi32>
    %get3A_414 = arith.constant 1 : index
    %get3A_415 = arith.constant 0 : index
    %get3A_416 = arith.constant 0 : index
    %get3A_417 = vector.load %arg2[%get3A_414, %get3A_415, %get3A_416] : memref<2x128x1xi32, #tpu.memory_space<vmem>>, vector<1x128x1xi32>
    %get3A_418 = vector.shape_cast %get3A_417 : vector<1x128x1xi32> to vector<128x1xi32>
    %lt3A_419 = vector.broadcast %get3A_418 : vector<128x1xi32> to vector<128x2048xi32>
    %lt3A_420 = vector.broadcast %get3A_413 : vector<1x2048xi32> to vector<128x2048xi32>
    %lt3A_421 = arith.cmpi slt, %lt3A_419, %lt3A_420 : vector<128x2048xi32>
    %lt3A_422 = arith.constant 2048 : i32
    %lt3A_423 = vector.broadcast %lt3A_422 : i32 to vector<1x2048xi32>
    %lt3A_424 = arith.cmpi slt, %get3A_413, %lt3A_423 : vector<1x2048xi32>
    %get3A_425 = arith.constant 1 : index
    %get3A_426 = arith.constant 0 : index
    %get3A_427 = arith.constant 0 : index
    %get3A_428 = vector.load %arg12[%get3A_425, %get3A_426, %get3A_427] : memref<2x128x2048xf32, #tpu.memory_space<vmem>>, vector<1x32x2048xf32>
    %get3A_429 = vector.shape_cast %get3A_428 : vector<1x32x2048xf32> to vector<32x2048xf32>
    %slice3A_430 = vector.extract_strided_slice %dot_general3A_383 {offsets = [0, 0], sizes = [32, 128], strides = [1, 1]} : vector<128x128xf32> to vector<32x128xf32>
    %slice3A_431 = vector.extract_strided_slice %dot_general3A_398 {offsets = [0, 0], sizes = [32, 128], strides = [1, 1]} : vector<128x128xf32> to vector<32x128xf32>
    %concatenate3A_432 = tpu.concatenate %slice3A_430, %slice3A_431 in 1 : vector<32x128xf32>, vector<32x128xf32> -> vector<32x256xf32>
    %dot_general3A_433 = arith.constant dense<0.000000e+00> : vector<256x2048xf32>
    %dot_general3A_434 = tpu.matmul %concatenate3A_432, %get3A_429, %dot_general3A_433 {dimension_numbers = #tpu.dot_dimension_numbers<[0], [0], [1], [1], [0, 1, 1, 1], [], []>, transpose_lhs_hint = false} : vector<32x256xf32>, vector<32x2048xf32>, vector<256x2048xf32> -> vector<256x2048xf32>
    %slice3A_435 = vector.extract_strided_slice %dot_general3A_434 {offsets = [128, 0], sizes = [128, 2048], strides = [1, 1]} : vector<256x2048xf32> to vector<128x2048xf32>
    %slice3A_436 = vector.extract_strided_slice %dot_general3A_434 {offsets = [0, 0], sizes = [128, 2048], strides = [1, 1]} : vector<256x2048xf32> to vector<128x2048xf32>
    %select_n3A_437 = arith.select %lt3A_421, %slice3A_435, %slice3A_436 : vector<128x2048xi1>, vector<128x2048xf32>
    %reduce_max3A_438 = arith.constant dense<0xFF800000> : vector<2048xf32>
    %reduce_max3A_439 = vector.multi_reduction <maximumf>, %select_n3A_437, %reduce_max3A_438 [0] : vector<128x2048xf32> to vector<2048xf32>
    %broadcast_in_dim3A_440 = vector.shape_cast %reduce_max3A_439 : vector<2048xf32> to vector<1x2048xf32>
    %sub3A_441 = vector.broadcast %broadcast_in_dim3A_440 : vector<1x2048xf32> to vector<128x2048xf32>
    %sub3A_442 = arith.subf %select_n3A_437, %sub3A_441 : vector<128x2048xf32>
    %exp23A_443 = math.exp2 %sub3A_442 : vector<128x2048xf32>
    %jit3A_444 = arith.constant 0.000000e+00 : f32
    %broadcast_in_dim3A_445 = vector.broadcast %jit3A_444 : f32 to vector<128x2048xf32>
    %select_n3A_446 = arith.select %lt3A_421, %exp23A_443, %broadcast_in_dim3A_445 : vector<128x2048xi1>, vector<128x2048xf32>
    %sub3A_447 = arith.subf %exp23A_443, %select_n3A_446 : vector<128x2048xf32>
    %slice3A_448 = vector.extract_strided_slice %dot_general3A_408 {offsets = [0, 0], sizes = [32, 128], strides = [1, 1]} : vector<128x128xf32> to vector<32x128xf32>
    %dot_general3A_449 = arith.constant dense<0.000000e+00> : vector<32x2048xf32>
    %dot_general3A_450 = tpu.matmul %slice3A_448, %select_n3A_446, %dot_general3A_449 {dimension_numbers = #tpu.dot_dimension_numbers<[1], [0], [0], [1], [0, 0, 1, 1], [], []>, transpose_lhs_hint = false} : vector<32x128xf32>, vector<128x2048xf32>, vector<32x2048xf32> -> vector<32x2048xf32>
    %slice3A_451 = vector.extract_strided_slice %dot_general3A_388 {offsets = [0, 0], sizes = [32, 128], strides = [1, 1]} : vector<128x128xf32> to vector<32x128xf32>
    %dot_general3A_452 = arith.constant dense<0.000000e+00> : vector<32x2048xf32>
    %dot_general3A_453 = tpu.matmul %slice3A_451, %sub3A_447, %dot_general3A_452 {dimension_numbers = #tpu.dot_dimension_numbers<[1], [0], [0], [1], [0, 0, 1, 1], [], []>, transpose_lhs_hint = false} : vector<32x128xf32>, vector<128x2048xf32>, vector<32x2048xf32> -> vector<32x2048xf32>
    %add3A_454 = arith.addf %dot_general3A_450, %dot_general3A_453 : vector<32x2048xf32>
    %reduce_sum3A_455 = arith.constant dense<0.000000e+00> : vector<2048xf32>
    %reduce_sum3A_456 = vector.multi_reduction <add>, %exp23A_443, %reduce_sum3A_455 [0] : vector<128x2048xf32> to vector<2048xf32>
    %broadcast_in_dim3A_457 = vector.shape_cast %reduce_sum3A_456 : vector<2048xf32> to vector<1x2048xf32>
    %div3A_458 = arith.constant 1.000000e+00 : f32
    %div3A_459 = vector.broadcast %div3A_458 : f32 to vector<1x2048xf32>
    %div3A_460 = arith.divf %div3A_459, %broadcast_in_dim3A_457 : vector<1x2048xf32>
    %mul3A_461 = vector.broadcast %div3A_460 : vector<1x2048xf32> to vector<32x2048xf32>
    %mul3A_462 = arith.mulf %add3A_454, %mul3A_461 : vector<32x2048xf32>
    %get3A_463 = arith.constant 1 : index
    %get3A_464 = arith.constant 0 : index
    %get3A_465 = arith.constant 0 : index
    %get3A_466 = vector.load %arg0[%get3A_463, %get3A_464, %get3A_465] : memref<2x128x2048xf32, #tpu.memory_space<vmem>>, vector<1x32x2048xf32>
    %get3A_467 = vector.shape_cast %get3A_466 : vector<1x32x2048xf32> to vector<32x2048xf32>
    %add3A_468 = arith.addf %mul3A_462, %get3A_467 : vector<32x2048xf32>
    %broadcast_in_dim3A_469 = vector.shape_cast %lt3A_424 : vector<1x2048xi1> to vector<1x2048xi1>
    %broadcast_in_dim3A_470 = vector.broadcast %broadcast_in_dim3A_469 : vector<1x2048xi1> to vector<32x2048xi1>
    %select_n3A_471 = arith.select %broadcast_in_dim3A_470, %add3A_468, %get3A_467 : vector<32x2048xi1>, vector<32x2048xf32>
    %swap3A_472 = arith.constant 1 : index
    %swap3A_473 = arith.constant 0 : index
    %swap3A_474 = arith.constant 0 : index
    %swap3A_475 = vector.load %arg10[%swap3A_472, %swap3A_473, %swap3A_474] : memref<2x128x2048xf32, #tpu.memory_space<vmem>>, vector<1x32x2048xf32>
    %swap3A_476 = vector.shape_cast %swap3A_475 : vector<1x32x2048xf32> to vector<32x2048xf32>
    %swap3A_477 = vector.shape_cast %select_n3A_471 : vector<32x2048xf32> to vector<1x32x2048xf32>
    tpu.vector_store %arg10[%swap3A_472, %swap3A_473, %swap3A_474], %swap3A_477 {strides = array<i32>} : memref<2x128x2048xf32, #tpu.memory_space<vmem>>, vector<1x32x2048xf32>,
    %get3A_478 = arith.constant 1 : index
    %get3A_479 = arith.constant 32 : index
    %get3A_480 = arith.constant 0 : index
    %get3A_481 = vector.load %arg12[%get3A_478, %get3A_479, %get3A_480] : memref<2x128x2048xf32, #tpu.memory_space<vmem>>, vector<1x32x2048xf32>
    %get3A_482 = vector.shape_cast %get3A_481 : vector<1x32x2048xf32> to vector<32x2048xf32>
    %slice3A_483 = vector.extract_strided_slice %dot_general3A_383 {offsets = [32, 0], sizes = [32, 128], strides = [1, 1]} : vector<128x128xf32> to vector<32x128xf32>
    %slice3A_484 = vector.extract_strided_slice %dot_general3A_398 {offsets = [32, 0], sizes = [32, 128], strides = [1, 1]} : vector<128x128xf32> to vector<32x128xf32>
    %concatenate3A_485 = tpu.concatenate %slice3A_483, %slice3A_484 in 1 : vector<32x128xf32>, vector<32x128xf32> -> vector<32x256xf32>
    %dot_general3A_486 = arith.constant dense<0.000000e+00> : vector<256x2048xf32>
    %dot_general3A_487 = tpu.matmul %concatenate3A_485, %get3A_482, %dot_general3A_486 {dimension_numbers = #tpu.dot_dimension_numbers<[0], [0], [1], [1], [0, 1, 1, 1], [], []>, transpose_lhs_hint = false} : vector<32x256xf32>, vector<32x2048xf32>, vector<256x2048xf32> -> vector<256x2048xf32>
    %slice3A_488 = vector.extract_strided_slice %dot_general3A_487 {offsets = [128, 0], sizes = [128, 2048], strides = [1, 1]} : vector<256x2048xf32> to vector<128x2048xf32>
    %slice3A_489 = vector.extract_strided_slice %dot_general3A_487 {offsets = [0, 0], sizes = [128, 2048], strides = [1, 1]} : vector<256x2048xf32> to vector<128x2048xf32>
    %select_n3A_490 = arith.select %lt3A_421, %slice3A_488, %slice3A_489 : vector<128x2048xi1>, vector<128x2048xf32>
    %reduce_max3A_491 = arith.constant dense<0xFF800000> : vector<2048xf32>
    %reduce_max3A_492 = vector.multi_reduction <maximumf>, %select_n3A_490, %reduce_max3A_491 [0] : vector<128x2048xf32> to vector<2048xf32>
    %broadcast_in_dim3A_493 = vector.shape_cast %reduce_max3A_492 : vector<2048xf32> to vector<1x2048xf32>
    %sub3A_494 = vector.broadcast %broadcast_in_dim3A_493 : vector<1x2048xf32> to vector<128x2048xf32>
    %sub3A_495 = arith.subf %select_n3A_490, %sub3A_494 : vector<128x2048xf32>
    %exp23A_496 = math.exp2 %sub3A_495 : vector<128x2048xf32>
    %jit3A_497 = arith.constant 0.000000e+00 : f32
    %broadcast_in_dim3A_498 = vector.broadcast %jit3A_497 : f32 to vector<128x2048xf32>
    %select_n3A_499 = arith.select %lt3A_421, %exp23A_496, %broadcast_in_dim3A_498 : vector<128x2048xi1>, vector<128x2048xf32>
    %sub3A_500 = arith.subf %exp23A_496, %select_n3A_499 : vector<128x2048xf32>
    %slice3A_501 = vector.extract_strided_slice %dot_general3A_408 {offsets = [32, 0], sizes = [32, 128], strides = [1, 1]} : vector<128x128xf32> to vector<32x128xf32>
    %dot_general3A_502 = arith.constant dense<0.000000e+00> : vector<32x2048xf32>
    %dot_general3A_503 = tpu.matmul %slice3A_501, %select_n3A_499, %dot_general3A_502 {dimension_numbers = #tpu.dot_dimension_numbers<[1], [0], [0], [1], [0, 0, 1, 1], [], []>, transpose_lhs_hint = false} : vector<32x128xf32>, vector<128x2048xf32>, vector<32x2048xf32> -> vector<32x2048xf32>
    %slice3A_504 = vector.extract_strided_slice %dot_general3A_388 {offsets = [32, 0], sizes = [32, 128], strides = [1, 1]} : vector<128x128xf32> to vector<32x128xf32>
    %dot_general3A_505 = arith.constant dense<0.000000e+00> : vector<32x2048xf32>
    %dot_general3A_506 = tpu.matmul %slice3A_504, %sub3A_500, %dot_general3A_505 {dimension_numbers = #tpu.dot_dimension_numbers<[1], [0], [0], [1], [0, 0, 1, 1], [], []>, transpose_lhs_hint = false} : vector<32x128xf32>, vector<128x2048xf32>, vector<32x2048xf32> -> vector<32x2048xf32>
    %add3A_507 = arith.addf %dot_general3A_503, %dot_general3A_506 : vector<32x2048xf32>
    %reduce_sum3A_508 = arith.constant dense<0.000000e+00> : vector<2048xf32>
    %reduce_sum3A_509 = vector.multi_reduction <add>, %exp23A_496, %reduce_sum3A_508 [0] : vector<128x2048xf32> to vector<2048xf32>
    %broadcast_in_dim3A_510 = vector.shape_cast %reduce_sum3A_509 : vector<2048xf32> to vector<1x2048xf32>
    %div3A_511 = arith.constant 1.000000e+00 : f32
    %div3A_512 = vector.broadcast %div3A_511 : f32 to vector<1x2048xf32>
    %div3A_513 = arith.divf %div3A_512, %broadcast_in_dim3A_510 : vector<1x2048xf32>
    %mul3A_514 = vector.broadcast %div3A_513 : vector<1x2048xf32> to vector<32x2048xf32>
    %mul3A_515 = arith.mulf %add3A_507, %mul3A_514 : vector<32x2048xf32>
    %get3A_516 = arith.constant 1 : index
    %get3A_517 = arith.constant 32 : index
    %get3A_518 = arith.constant 0 : index
    %get3A_519 = vector.load %arg0[%get3A_516, %get3A_517, %get3A_518] : memref<2x128x2048xf32, #tpu.memory_space<vmem>>, vector<1x32x2048xf32>
    %get3A_520 = vector.shape_cast %get3A_519 : vector<1x32x2048xf32> to vector<32x2048xf32>
    %add3A_521 = arith.addf %mul3A_515, %get3A_520 : vector<32x2048xf32>
    %broadcast_in_dim3A_522 = vector.shape_cast %lt3A_424 : vector<1x2048xi1> to vector<1x2048xi1>
    %broadcast_in_dim3A_523 = vector.broadcast %broadcast_in_dim3A_522 : vector<1x2048xi1> to vector<32x2048xi1>
    %select_n3A_524 = arith.select %broadcast_in_dim3A_523, %add3A_521, %get3A_520 : vector<32x2048xi1>, vector<32x2048xf32>
    %swap3A_525 = arith.constant 1 : index
    %swap3A_526 = arith.constant 32 : index
    %swap3A_527 = arith.constant 0 : index
    %swap3A_528 = vector.load %arg10[%swap3A_525, %swap3A_526, %swap3A_527] : memref<2x128x2048xf32, #tpu.memory_space<vmem>>, vector<1x32x2048xf32>
    %swap3A_529 = vector.shape_cast %swap3A_528 : vector<1x32x2048xf32> to vector<32x2048xf32>
    %swap3A_530 = vector.shape_cast %select_n3A_524 : vector<32x2048xf32> to vector<1x32x2048xf32>
    tpu.vector_store %arg10[%swap3A_525, %swap3A_526, %swap3A_527], %swap3A_530 {strides = array<i32>} : memref<2x128x2048xf32, #tpu.memory_space<vmem>>, vector<1x32x2048xf32>,
    %get3A_531 = arith.constant 1 : index
    %get3A_532 = arith.constant 64 : index
    %get3A_533 = arith.constant 0 : index
    %get3A_534 = vector.load %arg12[%get3A_531, %get3A_532, %get3A_533] : memref<2x128x2048xf32, #tpu.memory_space<vmem>>, vector<1x32x2048xf32>
    %get3A_535 = vector.shape_cast %get3A_534 : vector<1x32x2048xf32> to vector<32x2048xf32>
    %slice3A_536 = vector.extract_strided_slice %dot_general3A_383 {offsets = [64, 0], sizes = [32, 128], strides = [1, 1]} : vector<128x128xf32> to vector<32x128xf32>
    %slice3A_537 = vector.extract_strided_slice %dot_general3A_398 {offsets = [64, 0], sizes = [32, 128], strides = [1, 1]} : vector<128x128xf32> to vector<32x128xf32>
    %concatenate3A_538 = tpu.concatenate %slice3A_536, %slice3A_537 in 1 : vector<32x128xf32>, vector<32x128xf32> -> vector<32x256xf32>
    %dot_general3A_539 = arith.constant dense<0.000000e+00> : vector<256x2048xf32>
    %dot_general3A_540 = tpu.matmul %concatenate3A_538, %get3A_535, %dot_general3A_539 {dimension_numbers = #tpu.dot_dimension_numbers<[0], [0], [1], [1], [0, 1, 1, 1], [], []>, transpose_lhs_hint = false} : vector<32x256xf32>, vector<32x2048xf32>, vector<256x2048xf32> -> vector<256x2048xf32>
    %slice3A_541 = vector.extract_strided_slice %dot_general3A_540 {offsets = [128, 0], sizes = [128, 2048], strides = [1, 1]} : vector<256x2048xf32> to vector<128x2048xf32>
    %slice3A_542 = vector.extract_strided_slice %dot_general3A_540 {offsets = [0, 0], sizes = [128, 2048], strides = [1, 1]} : vector<256x2048xf32> to vector<128x2048xf32>
    %select_n3A_543 = arith.select %lt3A_421, %slice3A_541, %slice3A_542 : vector<128x2048xi1>, vector<128x2048xf32>
    %reduce_max3A_544 = arith.constant dense<0xFF800000> : vector<2048xf32>
    %reduce_max3A_545 = vector.multi_reduction <maximumf>, %select_n3A_543, %reduce_max3A_544 [0] : vector<128x2048xf32> to vector<2048xf32>
    %broadcast_in_dim3A_546 = vector.shape_cast %reduce_max3A_545 : vector<2048xf32> to vector<1x2048xf32>
    %sub3A_547 = vector.broadcast %broadcast_in_dim3A_546 : vector<1x2048xf32> to vector<128x2048xf32>
    %sub3A_548 = arith.subf %select_n3A_543, %sub3A_547 : vector<128x2048xf32>
    %exp23A_549 = math.exp2 %sub3A_548 : vector<128x2048xf32>
    %jit3A_550 = arith.constant 0.000000e+00 : f32
    %broadcast_in_dim3A_551 = vector.broadcast %jit3A_550 : f32 to vector<128x2048xf32>
    %select_n3A_552 = arith.select %lt3A_421, %exp23A_549, %broadcast_in_dim3A_551 : vector<128x2048xi1>, vector<128x2048xf32>
    %sub3A_553 = arith.subf %exp23A_549, %select_n3A_552 : vector<128x2048xf32>
    %slice3A_554 = vector.extract_strided_slice %dot_general3A_408 {offsets = [64, 0], sizes = [32, 128], strides = [1, 1]} : vector<128x128xf32> to vector<32x128xf32>
    %dot_general3A_555 = arith.constant dense<0.000000e+00> : vector<32x2048xf32>
    %dot_general3A_556 = tpu.matmul %slice3A_554, %select_n3A_552, %dot_general3A_555 {dimension_numbers = #tpu.dot_dimension_numbers<[1], [0], [0], [1], [0, 0, 1, 1], [], []>, transpose_lhs_hint = false} : vector<32x128xf32>, vector<128x2048xf32>, vector<32x2048xf32> -> vector<32x2048xf32>
    %slice3A_557 = vector.extract_strided_slice %dot_general3A_388 {offsets = [64, 0], sizes = [32, 128], strides = [1, 1]} : vector<128x128xf32> to vector<32x128xf32>
    %dot_general3A_558 = arith.constant dense<0.000000e+00> : vector<32x2048xf32>
    %dot_general3A_559 = tpu.matmul %slice3A_557, %sub3A_553, %dot_general3A_558 {dimension_numbers = #tpu.dot_dimension_numbers<[1], [0], [0], [1], [0, 0, 1, 1], [], []>, transpose_lhs_hint = false} : vector<32x128xf32>, vector<128x2048xf32>, vector<32x2048xf32> -> vector<32x2048xf32>
    %add3A_560 = arith.addf %dot_general3A_556, %dot_general3A_559 : vector<32x2048xf32>
    %reduce_sum3A_561 = arith.constant dense<0.000000e+00> : vector<2048xf32>
    %reduce_sum3A_562 = vector.multi_reduction <add>, %exp23A_549, %reduce_sum3A_561 [0] : vector<128x2048xf32> to vector<2048xf32>
    %broadcast_in_dim3A_563 = vector.shape_cast %reduce_sum3A_562 : vector<2048xf32> to vector<1x2048xf32>
    %div3A_564 = arith.constant 1.000000e+00 : f32
    %div3A_565 = vector.broadcast %div3A_564 : f32 to vector<1x2048xf32>
    %div3A_566 = arith.divf %div3A_565, %broadcast_in_dim3A_563 : vector<1x2048xf32>
    %mul3A_567 = vector.broadcast %div3A_566 : vector<1x2048xf32> to vector<32x2048xf32>
    %mul3A_568 = arith.mulf %add3A_560, %mul3A_567 : vector<32x2048xf32>
    %get3A_569 = arith.constant 1 : index
    %get3A_570 = arith.constant 64 : index
    %get3A_571 = arith.constant 0 : index
    %get3A_572 = vector.load %arg0[%get3A_569, %get3A_570, %get3A_571] : memref<2x128x2048xf32, #tpu.memory_space<vmem>>, vector<1x32x2048xf32>
    %get3A_573 = vector.shape_cast %get3A_572 : vector<1x32x2048xf32> to vector<32x2048xf32>
    %add3A_574 = arith.addf %mul3A_568, %get3A_573 : vector<32x2048xf32>
    %broadcast_in_dim3A_575 = vector.shape_cast %lt3A_424 : vector<1x2048xi1> to vector<1x2048xi1>
    %broadcast_in_dim3A_576 = vector.broadcast %broadcast_in_dim3A_575 : vector<1x2048xi1> to vector<32x2048xi1>
    %select_n3A_577 = arith.select %broadcast_in_dim3A_576, %add3A_574, %get3A_573 : vector<32x2048xi1>, vector<32x2048xf32>
    %swap3A_578 = arith.constant 1 : index
    %swap3A_579 = arith.constant 64 : index
    %swap3A_580 = arith.constant 0 : index
    %swap3A_581 = vector.load %arg10[%swap3A_578, %swap3A_579, %swap3A_580] : memref<2x128x2048xf32, #tpu.memory_space<vmem>>, vector<1x32x2048xf32>
    %swap3A_582 = vector.shape_cast %swap3A_581 : vector<1x32x2048xf32> to vector<32x2048xf32>
    %swap3A_583 = vector.shape_cast %select_n3A_577 : vector<32x2048xf32> to vector<1x32x2048xf32>
    tpu.vector_store %arg10[%swap3A_578, %swap3A_579, %swap3A_580], %swap3A_583 {strides = array<i32>} : memref<2x128x2048xf32, #tpu.memory_space<vmem>>, vector<1x32x2048xf32>,
    %get3A_584 = arith.constant 1 : index
    %get3A_585 = arith.constant 96 : index
    %get3A_586 = arith.constant 0 : index
    %get3A_587 = vector.load %arg12[%get3A_584, %get3A_585, %get3A_586] : memref<2x128x2048xf32, #tpu.memory_space<vmem>>, vector<1x32x2048xf32>
    %get3A_588 = vector.shape_cast %get3A_587 : vector<1x32x2048xf32> to vector<32x2048xf32>
    %slice3A_589 = vector.extract_strided_slice %dot_general3A_383 {offsets = [96, 0], sizes = [32, 128], strides = [1, 1]} : vector<128x128xf32> to vector<32x128xf32>
    %slice3A_590 = vector.extract_strided_slice %dot_general3A_398 {offsets = [96, 0], sizes = [32, 128], strides = [1, 1]} : vector<128x128xf32> to vector<32x128xf32>
    %concatenate3A_591 = tpu.concatenate %slice3A_589, %slice3A_590 in 1 : vector<32x128xf32>, vector<32x128xf32> -> vector<32x256xf32>
    %dot_general3A_592 = arith.constant dense<0.000000e+00> : vector<256x2048xf32>
    %dot_general3A_593 = tpu.matmul %concatenate3A_591, %get3A_588, %dot_general3A_592 {dimension_numbers = #tpu.dot_dimension_numbers<[0], [0], [1], [1], [0, 1, 1, 1], [], []>, transpose_lhs_hint = false} : vector<32x256xf32>, vector<32x2048xf32>, vector<256x2048xf32> -> vector<256x2048xf32>
    %slice3A_594 = vector.extract_strided_slice %dot_general3A_593 {offsets = [128, 0], sizes = [128, 2048], strides = [1, 1]} : vector<256x2048xf32> to vector<128x2048xf32>
    %slice3A_595 = vector.extract_strided_slice %dot_general3A_593 {offsets = [0, 0], sizes = [128, 2048], strides = [1, 1]} : vector<256x2048xf32> to vector<128x2048xf32>
    %select_n3A_596 = arith.select %lt3A_421, %slice3A_594, %slice3A_595 : vector<128x2048xi1>, vector<128x2048xf32>
    %reduce_max3A_597 = arith.constant dense<0xFF800000> : vector<2048xf32>
    %reduce_max3A_598 = vector.multi_reduction <maximumf>, %select_n3A_596, %reduce_max3A_597 [0] : vector<128x2048xf32> to vector<2048xf32>
    %broadcast_in_dim3A_599 = vector.shape_cast %reduce_max3A_598 : vector<2048xf32> to vector<1x2048xf32>
    %sub3A_600 = vector.broadcast %broadcast_in_dim3A_599 : vector<1x2048xf32> to vector<128x2048xf32>
    %sub3A_601 = arith.subf %select_n3A_596, %sub3A_600 : vector<128x2048xf32>
    %exp23A_602 = math.exp2 %sub3A_601 : vector<128x2048xf32>
    %jit3A_603 = arith.constant 0.000000e+00 : f32
    %broadcast_in_dim3A_604 = vector.broadcast %jit3A_603 : f32 to vector<128x2048xf32>
    %select_n3A_605 = arith.select %lt3A_421, %exp23A_602, %broadcast_in_dim3A_604 : vector<128x2048xi1>, vector<128x2048xf32>
    %sub3A_606 = arith.subf %exp23A_602, %select_n3A_605 : vector<128x2048xf32>
    %slice3A_607 = vector.extract_strided_slice %dot_general3A_408 {offsets = [96, 0], sizes = [32, 128], strides = [1, 1]} : vector<128x128xf32> to vector<32x128xf32>
    %dot_general3A_608 = arith.constant dense<0.000000e+00> : vector<32x2048xf32>
    %dot_general3A_609 = tpu.matmul %slice3A_607, %select_n3A_605, %dot_general3A_608 {dimension_numbers = #tpu.dot_dimension_numbers<[1], [0], [0], [1], [0, 0, 1, 1], [], []>, transpose_lhs_hint = false} : vector<32x128xf32>, vector<128x2048xf32>, vector<32x2048xf32> -> vector<32x2048xf32>
    %slice3A_610 = vector.extract_strided_slice %dot_general3A_388 {offsets = [96, 0], sizes = [32, 128], strides = [1, 1]} : vector<128x128xf32> to vector<32x128xf32>
    %dot_general3A_611 = arith.constant dense<0.000000e+00> : vector<32x2048xf32>
    %dot_general3A_612 = tpu.matmul %slice3A_610, %sub3A_606, %dot_general3A_611 {dimension_numbers = #tpu.dot_dimension_numbers<[1], [0], [0], [1], [0, 0, 1, 1], [], []>, transpose_lhs_hint = false} : vector<32x128xf32>, vector<128x2048xf32>, vector<32x2048xf32> -> vector<32x2048xf32>
    %add3A_613 = arith.addf %dot_general3A_609, %dot_general3A_612 : vector<32x2048xf32>
    %reduce_sum3A_614 = arith.constant dense<0.000000e+00> : vector<2048xf32>
    %reduce_sum3A_615 = vector.multi_reduction <add>, %exp23A_602, %reduce_sum3A_614 [0] : vector<128x2048xf32> to vector<2048xf32>
    %broadcast_in_dim3A_616 = vector.shape_cast %reduce_sum3A_615 : vector<2048xf32> to vector<1x2048xf32>
    %div3A_617 = arith.constant 1.000000e+00 : f32
    %div3A_618 = vector.broadcast %div3A_617 : f32 to vector<1x2048xf32>
    %div3A_619 = arith.divf %div3A_618, %broadcast_in_dim3A_616 : vector<1x2048xf32>
    %mul3A_620 = vector.broadcast %div3A_619 : vector<1x2048xf32> to vector<32x2048xf32>
    %mul3A_621 = arith.mulf %add3A_613, %mul3A_620 : vector<32x2048xf32>
    %get3A_622 = arith.constant 1 : index
    %get3A_623 = arith.constant 96 : index
    %get3A_624 = arith.constant 0 : index
    %get3A_625 = vector.load %arg0[%get3A_622, %get3A_623, %get3A_624] : memref<2x128x2048xf32, #tpu.memory_space<vmem>>, vector<1x32x2048xf32>
    %get3A_626 = vector.shape_cast %get3A_625 : vector<1x32x2048xf32> to vector<32x2048xf32>
    %add3A_627 = arith.addf %mul3A_621, %get3A_626 : vector<32x2048xf32>
    %broadcast_in_dim3A_628 = vector.shape_cast %lt3A_424 : vector<1x2048xi1> to vector<1x2048xi1>
    %broadcast_in_dim3A_629 = vector.broadcast %broadcast_in_dim3A_628 : vector<1x2048xi1> to vector<32x2048xi1>
    %select_n3A_630 = arith.select %broadcast_in_dim3A_629, %add3A_627, %get3A_626 : vector<32x2048xi1>, vector<32x2048xf32>
    %swap3A_631 = arith.constant 1 : index
    %swap3A_632 = arith.constant 96 : index
    %swap3A_633 = arith.constant 0 : index
    %swap3A_634 = vector.load %arg10[%swap3A_631, %swap3A_632, %swap3A_633] : memref<2x128x2048xf32, #tpu.memory_space<vmem>>, vector<1x32x2048xf32>
    %swap3A_635 = vector.shape_cast %swap3A_634 : vector<1x32x2048xf32> to vector<32x2048xf32>
    %swap3A_636 = vector.shape_cast %select_n3A_630 : vector<32x2048xf32> to vector<1x32x2048xf32>
    tpu.vector_store %arg10[%swap3A_631, %swap3A_632, %swap3A_633], %swap3A_636 {strides = array<i32>} : memref<2x128x2048xf32, #tpu.memory_space<vmem>>, vector<1x32x2048xf32>,
    %get3A_637 = arith.constant 1 : index
    %get3A_638 = arith.constant 0 : index
    %get3A_639 = arith.constant 0 : index
    %get3A_640 = vector.load %arg10[%get3A_637, %get3A_638, %get3A_639] : memref<2x128x2048xf32, #tpu.memory_space<vmem>>, vector<1x128x2048xf32>
    %get3A_641 = vector.shape_cast %get3A_640 : vector<1x128x2048xf32> to vector<128x2048xf32>
    %get3A_642 = arith.constant 0 : index
    %get3A_643 = arith.constant 0 : index
    %get3A_644 = vector.load %arg6[%get3A_642, %get3A_643] : memref<128x128xf32, #tpu.memory_space<vmem>>, vector<128x128xf32>
    %dot_general3A_645 = arith.constant dense<0.000000e+00> : vector<128x2048xf32>
    %dot_general3A_646 = tpu.matmul %get3A_644, %get3A_641, %dot_general3A_645 {dimension_numbers = #tpu.dot_dimension_numbers<[1], [0], [0], [1], [0, 0, 1, 1], [], []>, transpose_lhs_hint = false} : vector<128x128xf32>, vector<128x2048xf32>, vector<128x2048xf32> -> vector<128x2048xf32>
    %get3A_647 = arith.constant 0 : index
    %get3A_648 = arith.constant 0 : index
    %get3A_649 = vector.load %arg7[%get3A_647, %get3A_648] : memref<128x1xf32, #tpu.memory_space<vmem>>, vector<128x1xf32>
    %add3A_650 = vector.broadcast %get3A_649 : vector<128x1xf32> to vector<128x2048xf32>
    %add3A_651 = arith.addf %dot_general3A_646, %add3A_650 : vector<128x2048xf32>
    %max3A_652 = arith.constant 0.000000e+00 : f32
    %max3A_653 = vector.broadcast %max3A_652 : f32 to vector<128x2048xf32>
    %max3A_654 = arith.maximumf %add3A_651, %max3A_653 : vector<128x2048xf32>
    %get3A_655 = arith.constant 0 : index
    %get3A_656 = arith.constant 0 : index
    %get3A_657 = vector.load %arg8[%get3A_655, %get3A_656] : memref<1x128xf32, #tpu.memory_space<vmem>>, vector<1x128xf32>
    %dot_general3A_658 = arith.constant dense<0.000000e+00> : vector<1x2048xf32>
    %dot_general3A_659 = tpu.matmul %get3A_657, %max3A_654, %dot_general3A_658 {dimension_numbers = #tpu.dot_dimension_numbers<[1], [0], [0], [1], [0, 0, 1, 1], [], []>, transpose_lhs_hint = false} : vector<1x128xf32>, vector<128x2048xf32>, vector<1x2048xf32> -> vector<1x2048xf32>
    %get3A_660 = arith.constant 0 : index
    %get3A_661 = arith.constant 0 : index
    %get3A_662 = vector.load %arg9[%get3A_660, %get3A_661] : memref<1x1xf32, #tpu.memory_space<vmem>>, vector<1x1xf32>
    %add3A_663 = vector.broadcast %get3A_662 : vector<1x1xf32> to vector<1x2048xf32>
    %add3A_664 = arith.addf %dot_general3A_659, %add3A_663 : vector<1x2048xf32>
    %neg3A_665 = arith.constant 0.000000e+00 : f32
    %neg3A_666 = vector.broadcast %neg3A_665 : f32 to vector<1x2048xf32>
    %neg3A_667 = arith.subf %neg3A_666, %add3A_664 : vector<1x2048xf32>
    %exp3A_668 = math.exp %neg3A_667 : vector<1x2048xf32>
    %add3A_669 = arith.constant 1.000000e+00 : f32
    %add3A_670 = vector.broadcast %add3A_669 : f32 to vector<1x2048xf32>
    %add3A_671 = arith.addf %add3A_670, %exp3A_668 : vector<1x2048xf32>
    %div3A_672 = arith.constant 1.000000e+00 : f32
    %div3A_673 = vector.broadcast %div3A_672 : f32 to vector<1x2048xf32>
    %div3A_674 = arith.divf %div3A_673, %add3A_671 : vector<1x2048xf32>
    %swap3A_675 = arith.constant 1 : index
    %swap3A_676 = arith.constant 0 : index
    %swap3A_677 = arith.constant 0 : index
    %swap3A_678 = vector.load %arg11[%swap3A_675, %swap3A_676, %swap3A_677] : memref<2x1x2048xf32, #tpu.memory_space<vmem>>, vector<1x1x2048xf32>
    %swap3A_679 = vector.shape_cast %swap3A_678 : vector<1x1x2048xf32> to vector<1x2048xf32>
    %swap3A_680 = vector.shape_cast %div3A_674 : vector<1x2048xf32> to vector<1x1x2048xf32>
    tpu.vector_store %arg11[%swap3A_675, %swap3A_676, %swap3A_677], %swap3A_680 {strides = array<i32>} : memref<2x1x2048xf32, #tpu.memory_space<vmem>>, vector<1x1x2048xf32>,
    return
  }
}

</mosaic_0001>

<sc_bundles>
// kernel: kernel.4.cloned.1.call-start
scs
__scs_entry_jumppad:
0x0: {  	(pc) =	sbr.rel $0x88, $3  }
0x1: {  	(tag) =	ssettag $0x0;
	lr =	simm.s32 $0x1  }
0x2: {  	[smem:$0x3F97] =	sst lr;
	_ =	strace $0xD0000000  }
0x3: {  	_ = 	snop  }
0x4: {  	_ = 	snop  }
0x5: {  	_ = 	snop  }
0x6: {  	_ = 	snop  }
0x7: {  	_ = 	snop  }
__scs_overlays_trampoline_lowered:
0x8: {  	[smem:$0x3FA6] =	sst s0  }
0x9: {  	[smem:$0x3FA7] =	sst s1  }
0xa: {  	[smem:$0x3FA8] =	sst s2  }
0xb: {  	[smem:$0x3FA9] =	sst s3  }
0xc: {  	[smem:$0x3FAA] =	sst s4  }
0xd: {  	[smem:$0x3FAB] =	sst s5  }
0xe: {  	[smem:$0x3FAC] =	sst s6  }
0xf: {  	[smem:$0x3FAD] =	sst s7  }
0x10: {  	[smem:$0x3FAE] =	sst s8  }
0x11: {  	[smem:$0x3FAF] =	sst s9;
	s0 =	simm.s32 @!p0 $0x0  }
0x12: {  	s1 =	sld [smem:$0x3F95];
	s0 =	simm.s32 @p0 $0x1  }
0x13: {  	[smem:$0x3FB0] =	sst s0;
	s0 =	simm.s32 @!p1 $0x0  }
0x14: {  	s2 =	sld [smem:$0x3F94];
	s0 =	simm.s32 @p1 $0x1  }
0x15: {  	[smem:$0x3FB1] =	sst s0;
	s0 =	simm.s32 @!p2 $0x0  }
0x16: {  	s3 =	sld [smem:$0x3FDB];
	s0 =	simm.s32 @p2 $0x1  }
0x17: {  	s4 =	simm.s32 $0x1BF5;
	[smem:$0x3FB3] =	sst s0  }
0x18: {  	s0 =	sld [smem:$0x3F96];
	_ =	swait.ge [sflag:s4], $0x0  }
0x19: {  	s7 =	sld [smem:$0x3F97]  }
0x1a: {  	s8 =	sadd.s32 $0xFFFFE003, lr  }
0x1b: {  	s9 =	sadd.s32 $0xFFFFFEF7, lr;
	s5 =	simm.s32 $0xFFFFFFFF;
	p2 =	slt.u32 s8, $0xFFFFF086  }
0x1c: {  	p1 =	slt.u32 s9, $0xF7A;
	s5 =	simm.s32 @!p2 $0x0  }
0x1d: {  	s5 =	simm.s32 @p1 $0x1;
	p0 =	seq.s32 s7, s2  }
0x1e: {  	s7 =	smul.u32 @!p0 $0xF7A, s2;
	p2 =	seq.s32 @!p0 s5, $0x0  }
0x1f: {  	s9 =	smul.u32 $0xF7A, s1;
	s8 =	simm.s32 @!p0 $0x1BF5;
	p2 =	por !p2, p0  }
0x20: {  	[sflag:s8] =	ssyncset.s32 @!p0 $0xFFFFF086;
	s6 =	sadd.s32 @!p0 s3, s7;
	s7 =	simm.s32 @!p0 $0x108  }
0x21: {  	s3 =	sadd.s32 s3, s9;
	s6 =	sadd.s32 @!p0 $0x88, s6;
	s7 =	simm.s32 @p2 $0x1082  }
0x22: {  	[simem:s7], [sflag:s8] =	dma.local @!p0 [hbm:s6], $0xF7A  }
0x23: {  	s9 =	sor.u32 $0xD0000000, s2;
	s6 =	simm.s32 $0x108;
	_ =	swait.ge @!p0 [sflag:s8], $0x0  }
0x24: {  	s3 =	sadd.s32 $0x88, s3;
	s6 =	simm.s32 @!p1 $0x1082;
	[sflag:s4] =	ssyncset.s32 $0xFFFFF086  }
0x25: {  	[simem:s6], [sflag:s4] =	dma.local [hbm:s3], $0xF7A  }
0x26: {  	[smem:$0x3F97] =	sst s1;
	(tag) =	ssettag s2;
	_ =	strace s9  }
0x27: {  	s1 =	sld [smem:$0x3FA7]  }
0x28: {  	s2 =	sld [smem:$0x3FA8]  }
0x29: {  	s4 =	sld [smem:$0x3FAA]  }
0x2a: {  	p0 =	seq.s32 s5, $0x0;
	s5 =	sld [smem:$0x3FAB]  }
0x2b: {  	s6 =	sld [smem:$0x3FAC]  }
0x2c: {  	s7 =	sld [smem:$0x3FAD]  }
0x2d: {  	s3 =	simm.s32 $0x108;
	s8 =	sld [smem:$0x3FAE]  }
0x2e: {  	s3 =	simm.s32 @!p0 $0x1082;
	s9 =	sld [smem:$0x3FAF]  }
0x2f: {  	lr =	sadd.s32 s0, s3;
	s0 =	sld [smem:$0x3FA6]  }
0x30: {  	s3 =	sld [smem:$0x3FA9]  }
0x31: {  	[smem:$0x3FB2] =	sst s10  }
0x32: {  	s10 =	sld [smem:$0x3FB0];
	_ =	sdelay $0x3  }
0x33: {  	p0 =	seq.s32 s10, $0x1;
	s10 =	sld [smem:$0x3FB2];
	_ =	sdelay $0x3  }
0x34: {  	[smem:$0x3FB2] =	sst s10  }
0x35: {  	s10 =	sld [smem:$0x3FB1];
	_ =	sdelay $0x3  }
0x36: {  	p1 =	seq.s32 s10, $0x1;
	s10 =	sld [smem:$0x3FB2];
	_ =	sdelay $0x3  }
0x37: {  	[smem:$0x3FB2] =	sst s10  }
0x38: {  	s10 =	sld [smem:$0x3FB3]  }
0x39: {  	_ = 	snop;
	(pc) =	sbr.ind lr, $3  }
0x3a: {  	_ = 	snop  }
0x3b: {  	_ = 	snop  }
0x3c: {  	p2 =	seq.s32 s10, $0x1;
	s10 =	sld [smem:$0x3FB2]  }
0x3d: {  	_ =	shalt  }
0x3e: {  	_ =	shalt  }
0x3f: {  	_ =	shalt  }
0x40: {  	_ =	shalt  }
0x41: {  	_ =	shalt  }
0x42: {  	_ =	shalt  }
0x43: {  	_ =	shalt  }
0x44: {  	_ =	shalt  }
0x45: {  	_ =	shalt  }
0x46: {  	_ =	shalt  }
0x47: {  	_ =	shalt  }
0x48: {  	_ =	shalt  }
0x49: {  	_ =	shalt  }
0x4a: {  	_ =	shalt  }
0x4b: {  	_ =	shalt  }
0x4c: {  	_ =	shalt  }
0x4d: {  	_ =	shalt  }
0x4e: {  	_ =	shalt  }
0x4f: {  	_ =	shalt  }
0x50: {  	_ =	shalt  }
0x51: {  	_ =	shalt  }
0x52: {  	_ =	shalt  }
0x53: {  	_ =	shalt  }
0x54: {  	_ =	shalt  }
0x55: {  	_ =	shalt  }
0x56: {  	_ =	shalt  }
0x57: {  	_ =	shalt  }
0x58: {  	_ =	shalt  }
0x59: {  	_ =	shalt  }
0x5a: {  	_ =	shalt  }
0x5b: {  	_ =	shalt  }
0x5c: {  	_ =	shalt  }
0x5d: {  	_ =	shalt  }
0x5e: {  	_ =	shalt  }
0x5f: {  	_ =	shalt  }
0x60: {  	_ =	shalt  }
0x61: {  	_ =	shalt  }
0x62: {  	_ =	shalt  }
0x63: {  	_ =	shalt  }
0x64: {  	_ =	shalt  }
0x65: {  	_ =	shalt  }
0x66: {  	_ =	shalt  }
0x67: {  	_ =	shalt  }
0x68: {  	_ =	shalt  }
0x69: {  	_ =	shalt  }
0x6a: {  	_ =	shalt  }
0x6b: {  	_ =	shalt  }
0x6c: {  	_ =	shalt  }
0x6d: {  	_ =	shalt  }
0x6e: {  	_ =	shalt  }
0x6f: {  	_ =	shalt  }
0x70: {  	_ =	shalt  }
0x71: {  	_ =	shalt  }
0x72: {  	_ =	shalt  }
0x73: {  	_ =	shalt  }
0x74: {  	_ =	shalt  }
0x75: {  	_ =	shalt  }
0x76: {  	_ =	shalt  }
0x77: {  	_ =	shalt  }
0x78: {  	_ =	shalt  }
0x79: {  	_ =	shalt  }
0x7a: {  	_ =	shalt  }
0x7b: {  	_ =	shalt  }
0x7c: {  	_ =	shalt  }
0x7d: {  	_ =	shalt  }
0x7e: {  	_ =	shalt  }
0x7f: {  	_ =	shalt  }
0x80: {  	_ =	shalt  }
0x81: {  	_ =	shalt  }
0x82: {  	_ =	shalt  }
0x83: {  	_ =	shalt  }
0x84: {  	_ =	shalt  }
0x85: {  	_ =	shalt  }
0x86: {  	_ =	shalt  }
0x87: {  	_ =	shalt  }
.Lfunc_end0:
.L_simem_size_0:
called_computation_lowered:
.L_overlay_start_0:
0x88: {  	s2 =	sld [smem:$0x3FD9]  }
0x89: {  	s3 =	sld [smem:$0x3FFE];
	_ =	sdelay $0x1  }
0x8a: {  	s1 =	srdreg.scid  }
0x8b: {  	s0 =	sand.u32 $0x1, s1  }
0x8c: {  	s14 =	sshll.u32 s0, $0xA;
	s2 =	sadd.s32 s3, s2  }
0x8d: {  	s2 =	sadd.s32 s2, s14  }
0x8e: {  	[smem:$0x3FBE] =	sst s2  }
0x8f: {  	_ = 	snop  }
0x90: {  	s2 =	sld [smem:$0x3FD0];
	_ =	sdelay $0x2  }
0x91: {  	s4 =	simm.s32 $0xA;
	s5 =	simm.s32 $0x10;
	s15 =	sld [smem:$0x3FC8]  }
0x92: {  	[smem:s5], [sflag:s4] =	dma.local [hbm:s2], $0x1  }
0x93: {  	_ =	swait.eq [sflag:s4], $0x1  }
0x94: {  	[sflag:s4] =	ssyncset.done $0x0  }
0x95: {  	s16 =	sld [smem:$0x10];
	[sflag:s4] =	ssyncadd.s32 $0xFFFFFFFF  }
0x96: {  	s17 =	sld [smem:$0x11];
	(tm) =	ssettm $0x1  }
0x97: {  	s18 =	sld [smem:$0x3FFB];
	_ =	sdelay $0x3  }
0x98: {  	_ =	strace s18  }
0x99: {  	s5 =	sld [smem:$0x3FFC];
	_ =	sdelay $0x3  }
0x9a: {  	_ =	strace s5  }
0x9b: {  	s5 =	sld [smem:$0x3FFD];
	_ =	sdelay $0x3  }
0x9c: {  	_ =	strace s5  }
0x9d: {  	_ =	strace $0x8FFFFFFF  }
0x9e: {  	s19 =	sld [smem:$0x3FDB];
	_ =	sdelay $0x1  }
0x9f: {  	s6 =	simm.s32 $_scs_section_size  }
0xa0: {  	s7 =	simm.s32 $_size__tile_overlayer_lowered;
	s8 =	simm.s32 $_tile_overlayer_lowered  }
0xa1: {  	s22 =	simm.s32 $0x1BFF;
	s21 =	sshll.u32 s8, $0x1;
	s5 =	sadd.s32 s6, s19  }
0xa2: {  	s9 =	simm.s32 $0x0;
	s20 =	sshll.u32 s7, $0x1;
	s7 =	sadd.s32 s21, s5  }
0xa3: {  	[timem:s9], [sflag:s22] =	dma.local [hbm:s7], s20  }
0xa4: {  	_ =	swait.ge [sflag:s22], s20  }
0xa5: {  	s6 =	ssub.s32 $0x0, s20;
	[sflag:s22] =	ssyncset.done $0x0  }
0xa6: {  	[sflag:s22] =	ssyncadd.s32 s6;
	_ =	sdelay $0x1  }
0xa7: {  	s23 =	simm.s32 $0x1B8B  }
0xa8: {  	_ =	swait.ge [sflag:s23], $0x1  }
0xa9: {  	[sflag:s23] =	ssyncset.done $0x0  }
0xaa: {  	s25 =	simm.s32 $0x1B8E;
	s24 =	sld [smem:$0x3FFE];
	[sflag:s23] =	ssyncadd.s32 $0xFFFFFFFF  }
0xab: {  	s26 =	simm.s32 $execute0_lowered;
	[smem:$0x3FD2] =	sst s25  }
0xac: {  	s7 =	sshll.u32 s26, $0x1;
	_ =	strace $0x80000046;
	[dreg:$0x1] =	wrdreg $0xFFFFFFFF  }
0xad: {  	s28 =	simm.s32 $_size_execute0_lowered;
	s5 =	sadd.s32 s5, s7;
	[dreg:$0x0] =	wrdreg $0x0  }
0xae: {  	s7 =	sshll.u32 s28, $0x1;
	[dreg:$0x2] =	wrdreg s5  }
0xaf: {  	[dreg:$0x3] =	wrdreg s7  }
0xb0: {  	[dreg:$0x4] =	wrdreg $0xC0  }
0xb1: {  	_ =	task [dreg:s9], $0x5FFFF  }
0xb2: {  	[dreg:$0x1] =	wrdreg $0xFFFFFFFF  }
0xb3: {  	[dreg:$0x0] =	wrdreg $0x60  }
0xb4: {  	[dreg:$0x2] =	wrdreg s15  }
0xb5: {  	[dreg:$0x3] =	wrdreg s24  }
0xb6: {  	[dreg:$0x4] =	wrdreg s17  }
0xb7: {  	[dreg:$0x5] =	wrdreg s16  }
0xb8: {  	[dreg:$0x6] =	wrdreg $0x9  }
0xb9: {  	_ =	task.clear_ibuf [dreg:s9], $0x7FFFF;
	_ =	strace $0x90000046  }
0xba: {  	s29 =	simm.s32 $0x9;
	_ =	strace $0x80000048  }
0xbb: {  	_ =	swait.ge [sflag:s29], $0x1  }
0xbc: {  	[sflag:s29] =	ssyncadd.s32 $0xFFFFFFFF  }
0xbd: {  	_ =	strace $0x90000048  }
0xbe: {  	_ =	sfence  }
0xbf: {  	s30 =	sld [smem:$0x0];
	_ =	sdelay $0x2  }
0xc0: {  	s31 =	sshll.u32 s1, $0xD;
	s1 =	sshrl.u32 s1, $0x2  }
0xc1: {  	s3 =	sand.u32 $0x4000, s31;
	s1 =	sadd.s32 s1, s30  }
0xc2: {  	s0 =	sor.u32 s3, s0;
	s1 =	sshll.u32 s1, $0x11  }
0xc3: {  	s0 =	sor.u32 s1, s0  }
0xc4: {  	s0 =	sadd.s32 $0x8F2B, s0  }
0xc5: {  	[sflag:s0] =	ssyncadd.remote.s32 $0x1  }
0xc6: {  	_ =	sfence.sel $0xFFFF  }
0xc7: {  	[dreg:$0x0] =	wrdreg $0xFFFFFFFF;
	(pc) =	sbr.abs _section_cstart, $3  }
0xc8: {  	[dreg:$0x1] =	wrdreg $0xFFFFFFFF  }
0xc9: {  	_ =	task.clear_ibuf [dreg:s9], $0x2FFFF;
	_ =	strace $0x9FFFFFFF  }
0xca: {  	(tm) =	ssettm $0x7FFFFFFF  }
0xcb: {  	_ =	shalt  }
tec
execute0_lowered:
.L_overlay_start_1:
0x0: {  	(tag) =	ssettag $0x1  }
0x1: {  	s4 =	stileid.u32  }
0x2: {  	s1 =	rddreg [dreg:$0x0];
	p0 =	sne.s32 s4, $0x0  }
.Ltmp0:
0x3: {  	s3 =	rddreg [dreg:$0x1];
	(pc) =	sbr.rel @p0 .LBB2_10-.Ltmp0, $4  }
0x4: {  	s5 =	rddreg [dreg:$0x2]  }
0x5: {  	s6 =	rddreg [dreg:$0x3];
	s2 =	simm.s32 $0x0  }
0x6: {  	[smem:$0x7FF] =	sst s2  }
0x7: {  	s0 =	rddreg [dreg:$0x4];
	_ =	strace $0x80000047  }
0x8: {  	s4 =	srdreg.scid;
	s3 =	sadd.s32 $0x1600, s3;
	s11 =	simm.s32 $0x1  }
0x9: {  	s12 =	simm.s32 $0x2000;
	s13 =	simm.s32 $0x3800;
	s9 =	sand.u32 $0x1, s4  }
0xa: {  	s14 =	simm.s32 $0x0;
	s4 =	sadd.s32 $0x10, s1;
	s7 =	ssub.s32 $0x2, s9  }
0xb: {  	s8 =	sshll.u32 s9, $0x4;
	v0 =	vmov s9;
	s9 =	simm.s32 $0x100;
	s10 =	sshrl.u32 s7, $0x1  }
0xc: {  	s5 =	sadd.s32 s5, s8;
	s6 =	sadd.s32 s6, s8;
	s7 =	ssub.s32 s7, s10  }
0xd: {  	v1 =	vlaneseq.u32;
	v2 =	vimm.s32 $0x800;
	v3 =	vimm.s32 $0x0;
	s8 =	simm.s32 $0x80;
	s10 =	simm.s32 $0x800;
	s7 =	smax.u32 s7, $0x1  }
.LBB2_2:
0xe: {  	[tilespmem:s10], [sflag:$0x1] =	stream.strided.gather [hbm4b:s1+s8], $0x1800, s9, s8, $0x38;
	[tilespmem:$0x3880] =	vst v63  }
0xf: {  	_ =	swait.ge [sflag:s11], $0x1800  }
0x10: {  	[sflag:s11] =	ssyncset.done $0x0  }
0x11: {  	[sflag:s11] =	ssyncadd.s32 $0xFFFFE800  }
0x12: {  	[tilespmem:s12], [sflag:$0x1] =	stream.strided.gather [hbm4b:s4+s8], $0x1800, s9, s8, $0x38;
	[tilespmem:$0x3880] =	vst v63  }
0x13: {  	_ =	swait.ge [sflag:s11], $0x1800  }
0x14: {  	[sflag:s11] =	ssyncset.done $0x0  }
0x15: {  	s15 =	simm.s32 $0x0;
	[sflag:s11] =	ssyncadd.s32 $0xFFFFE800  }
0x16: {  	[tilespmem:s13], [sflag:$0x1] =	stream.linear.gather [hbm4b:s3+s15], $0x80, $0x38;
	[tilespmem:$0x3880] =	vst v63  }
0x17: {  	_ =	swait.ge [sflag:s11], $0x80  }
0x18: {  	[sflag:s11] =	ssyncset.done $0x0  }
0x19: {  	[sflag:s11] =	ssyncadd.s32 $0xFFFFFF80  }
0x1a: {  	v4 =	vld.idx.msk [tilespmem:v0+s13+$0x0], $0xffff;
	_ =	sdelay $0x3  }
0x1b: {  	v5 =	vor.u32 s15, v1  }
0x1c: {  	vm0 =	veq.s32 v5, v4  }
0x1d: {  	v5 =	vsel vm0, $0x0, v2  }
0x1e: {  	s17 =	simm.s32 $0x10;
	s18 =	simm.s32 $0x0;
	[tilespmem:s15+$0x0] =	vst v5  }
.LBB2_3:
0x1f: {  	p1 =	sne.s32 s17, $0x7F0  }
.Ltmp1:
0x20: {  	_ = 	snop;
	(pc) =	sbr.rel @p1 .LBB2_3-.Ltmp1, $4  }
0x21: {  	v5 =	vor.u32 s17, v1  }
0x22: {  	vm0 =	veq.s32 v5, v4  }
0x23: {  	s18 =	sadd.s32 $0x10, s18;
	v5 =	vsel vm0, $0x0, v2  }
0x24: {  	s17 =	sadd.s32 $0x10, s17;
	s16 =	simm.s32 $0x1;
	[tilespmem:s18+$0x0] =	vst v5  }
.LBB2_4:
0x25: {  	s18 =	simm.s32 $0x840  }
0x26: {  	s17 =	simm.s32 $0x2040;
	v20 =	vld [tilespmem:s18+$0x30]  }
0x27: {  	v21 =	vld [tilespmem:s17+$0x30]  }
0x28: {  	v7 =	vld [tilespmem:s17+$0xFFFFFFC0]  }
0x29: {  	v15 =	vld [tilespmem:s18+$0xFFFFFFD0]  }
0x2a: {  	v18 =	vld [tilespmem:s17+$0xFFFFFFD0]  }
0x2b: {  	v13 =	vld [tilespmem:s18+$0xFFFFFFE0]  }
0x2c: {  	v16 =	vld [tilespmem:s17+$0xFFFFFFE0]  }
0x2d: {  	v9 =	vld [tilespmem:s18+$0xFFFFFFF0]  }
0x2e: {  	v17 =	vld [tilespmem:s17+$0xFFFFFFF0]  }
0x2f: {  	v4 =	vld [tilespmem:s18+$0x0]  }
0x30: {  	v8 =	vld [tilespmem:s17+$0x0]  }
0x31: {  	v6 =	vld [tilespmem:s18+$0x10]  }
0x32: {  	v10 =	vld [tilespmem:s17+$0x10]  }
0x33: {  	v5 =	vld [tilespmem:s18+$0x20]  }
0x34: {  	v19 =	vld [tilespmem:s18+$0xFFFFFFC0]  }
0x35: {  	v14 =	vld.idx.msk [tilespmem:v20+s2+$0x0], $0xffff  }
0x36: {  	v22 =	vld.idx.msk [tilespmem:v21+s2+$0x0], $0xffff  }
0x37: {  	v24 =	vld.idx.msk [tilespmem:v15+s2+$0x0], $0xffff  }
0x38: {  	v25 =	vld.idx.msk [tilespmem:v18+s2+$0x0], $0xffff  }
0x39: {  	v26 =	vld.idx.msk [tilespmem:v13+s2+$0x0], $0xffff  }
0x3a: {  	v27 =	vld.idx.msk [tilespmem:v16+s2+$0x0], $0xffff  }
0x3b: {  	v12 =	vmov s15;
	v28 =	vld.idx.msk [tilespmem:v9+s2+$0x0], $0xffff  }
0x3c: {  	v11 =	vld [tilespmem:s17+$0x20];
	vm0 =	veq.s32 v14, v12  }
0x3d: {  	v23 =	vld.idx.msk [tilespmem:v7+s2+$0x0], $0xffff;
	vm1 =	veq.s32 v22, $0x800;
	vm2 =	veq.s32 v22, v12;
	vm3 =	veq.s32 v14, $0x800  }
0x3e: {  	v29 =	vld.idx.msk [tilespmem:v17+s2+$0x0], $0xffff;
	v14 =	vadd.s32 $0x1, v12;
	vm4 =	veq.s32 v25, $0x800;
	vm6 =	vmand vm0, vm1  }
0x3f: {  	v30 =	vld.idx.msk [tilespmem:v19+s2+$0x0], $0xffff;
	vm5 =	veq.s32 v25, v12;
	vm8 =	veq.s32 v26, $0x800;
	vm9 =	vmand vm3, vm2  }
0x40: {  	v25 =	vld.idx.msk [tilespmem:v4+s2+$0x0], $0xffff;
	vm10 =	veq.s32 v27, v12;
	vm11 =	veq.s32 v28, v12;
	vm2 =	veq.s32 v24, v12  }
0x41: {  	v22 =	vld.idx.msk [tilespmem:v6+s2+$0x0], $0xffff;
	vm7 =	veq.s32 v28, $0x800;
	vm3 =	veq.s32 v24, $0x800;
	vm4 =	vmand vm2, vm4  }
0x42: {  	vm2 =	veq.s32 v26, v12;
	v26 =	vld.idx.msk [tilespmem:v8+s2+$0x0], $0xffff;
	vm5 =	vmand vm3, vm5;
	vm3 =	veq.s32 v27, $0x800  }
0x43: {  	vm1 =	veq.s32 v23, $0x800;
	vm0 =	veq.s32 v23, v12;
	v23 =	vld.idx.msk [tilespmem:v10+s2+$0x0], $0xffff;
	vm2 =	vmand vm2, vm3  }
0x44: {  	v24 =	vld.idx.msk [tilespmem:v11+s2+$0x0], $0xffff;
	vm3 =	vmand vm8, vm10;
	vm8 =	veq.s32 v29, v12;
	[tilespmem:v21+s2+$0x0] =	vst.idx.msk vm6, v14;
	vm6 =	veq.s32 v29, $0x800  }
0x45: {  	s19 =	simm.s32 $0x0;
	s20 =	simm.s32 $0x8C0;
	s18 =	simm.s32 $0x40;
	vm10 =	veq.s32 v30, v12;
	v21 =	vld.idx.msk [tilespmem:v5+s2+$0x0], $0xffff;
	[tilespmem:v20+s2+$0x0] =	vst.idx.msk vm9, v14;
	vm9 =	veq.s32 v30, $0x800;
	vm6 =	vmand vm11, vm6  }
.LBB2_5:
0x46: {  	v20 =	vld [tilespmem:s20+$0x30];
	vm1 =	vmand vm10, vm1;
	vm10 =	veq.s32 v25, v12;
	vm11 =	veq.s32 v25, $0x800;
	s17 =	sadd.s32 $0x80, s17  }
0x47: {  	vm0 =	vmand vm9, vm0;
	vm9 =	veq.s32 v26, $0x800;
	vm12 =	veq.s32 v26, v12;
	v25 =	vld [tilespmem:s17+$0x30];
	[tilespmem:v18+s2+$0x0] =	vst.idx.msk vm4, v14  }
0x48: {  	s19 =	sadd.s32 $0x8, s19;
	vm4 =	vmand vm7, vm8;
	vm7 =	veq.s32 v22, $0x800;
	v26 =	vld [tilespmem:s17+$0xFFFFFFC0];
	[tilespmem:v15+s2+$0x0] =	vst.idx.msk vm5, v14;
	vm5 =	veq.s32 v22, v12  }
0x49: {  	p1 =	slt.u32 s19, $0x178;
	vm8 =	veq.s32 v23, $0x800;
	v15 =	vld [tilespmem:s20+$0xFFFFFFD0];
	[tilespmem:v16+s2+$0x0] =	vst.idx.msk vm2, v14;
	vm2 =	vmand vm10, vm9;
	vm9 =	veq.s32 v23, v12  }
0x4a: {  	vm10 =	veq.s32 v21, v12;
	v18 =	vld [tilespmem:s17+$0xFFFFFFD0];
	[tilespmem:v13+s2+$0x0] =	vst.idx.msk vm3, v14;
	vm3 =	vmand vm11, vm12;
	vm11 =	veq.s32 v21, $0x800  }
0x4b: {  	vm5 =	vmand vm5, vm8;
	vm8 =	veq.s32 v24, v12;
	v13 =	vld [tilespmem:s20+$0xFFFFFFE0];
	[tilespmem:v17+s2+$0x0] =	vst.idx.msk vm6, v14;
	vm6 =	veq.s32 v24, $0x800  }
0x4c: {  	v16 =	vld [tilespmem:s17+$0xFFFFFFE0];
	[tilespmem:v7+s2+$0x0] =	vst.idx.msk vm1, v14;
	vm1 =	vmand vm7, vm9;
	vm6 =	vmand vm10, vm6;
	vm7 =	vmand vm11, vm8  }
0x4d: {  	v21 =	vld [tilespmem:s20+$0xFFFFFFF0];
	[tilespmem:v19+s2+$0x0] =	vst.idx.msk vm0, v14;
	v7 =	vmov v26  }
0x4e: {  	v19 =	vld.idx.msk [tilespmem:v20+s2+$0x0], $0xffff;
	[tilespmem:v9+s2+$0x0] =	vst.idx.msk vm4, v14  }
0x4f: {  	v22 =	vld.idx.msk [tilespmem:v25+s2+$0x0], $0xffff;
	[tilespmem:v8+s2+$0x0] =	vst.idx.msk vm2, v14  }
0x50: {  	v17 =	vld [tilespmem:s17+$0xFFFFFFF0];
	[tilespmem:v4+s2+$0x0] =	vst.idx.msk vm3, v14  }
0x51: {  	v4 =	vld [tilespmem:s20+$0x0];
	[tilespmem:v10+s2+$0x0] =	vst.idx.msk vm5, v14  }
0x52: {  	v8 =	vld [tilespmem:s17+$0x0];
	[tilespmem:v6+s2+$0x0] =	vst.idx.msk vm1, v14;
	v9 =	vmov v21  }
0x53: {  	v6 =	vld [tilespmem:s20+$0x10];
	[tilespmem:v11+s2+$0x0] =	vst.idx.msk vm6, v14  }
0x54: {  	v10 =	vld [tilespmem:s17+$0x10];
	[tilespmem:v5+s2+$0x0] =	vst.idx.msk vm7, v14  }
0x55: {  	vm0 =	veq.s32 v19, v12;
	vm1 =	veq.s32 v22, $0x800;
	v5 =	vld [tilespmem:s20+$0x20]  }
0x56: {  	vm2 =	veq.s32 v19, $0x800;
	vm0 =	vmand vm0, vm1;
	vm1 =	veq.s32 v22, v12;
	v11 =	vld [tilespmem:s17+$0x20]  }
0x57: {  	vm1 =	vmand vm2, vm1;
	v19 =	vld [tilespmem:s20+$0xFFFFFFC0]  }
0x58: {  	v21 =	vld.idx.msk [tilespmem:v26+s2+$0x0], $0xffff  }
0x59: {  	v22 =	vld.idx.msk [tilespmem:v15+s2+$0x0], $0xffff  }
0x5a: {  	v23 =	vld.idx.msk [tilespmem:v18+s2+$0x0], $0xffff  }
0x5b: {  	v24 =	vld.idx.msk [tilespmem:v13+s2+$0x0], $0xffff  }
0x5c: {  	v27 =	vld.idx.msk [tilespmem:v16+s2+$0x0], $0xffff;
	[tilespmem:v25+s2+$0x0] =	vst.idx.msk vm0, v14  }
0x5d: {  	v28 =	vld.idx.msk [tilespmem:v9+s2+$0x0], $0xffff;
	[tilespmem:v20+s2+$0x0] =	vst.idx.msk vm1, v14;
	v20 =	vimm.s32 $0x0  }
0x5e: {  	vm1 =	veq.s32 v21, $0x800;
	vm0 =	veq.s32 v21, v12;
	v21 =	vld.idx.msk [tilespmem:v17+s2+$0x0], $0xffff  }
0x5f: {  	vm2 =	veq.s32 v22, v12;
	vm3 =	veq.s32 v22, $0x800;
	v29 =	vld.idx.msk [tilespmem:v19+s2+$0x0], $0xffff  }
0x60: {  	vm4 =	veq.s32 v23, $0x800;
	vm5 =	veq.s32 v23, v12;
	v25 =	vld.idx.msk [tilespmem:v4+s2+$0x0], $0xffff  }
.Ltmp2:
0x61: {  	vm4 =	vmand vm2, vm4;
	vm2 =	veq.s32 v24, v12;
	vm6 =	veq.s32 v24, $0x800;
	v26 =	vld.idx.msk [tilespmem:v8+s2+$0x0], $0xffff;
	(pc) =	sbr.rel @p1 .LBB2_5-.Ltmp2, $4  }
0x62: {  	vm5 =	vmand vm3, vm5;
	vm3 =	veq.s32 v27, $0x800;
	vm8 =	veq.s32 v27, v12;
	v22 =	vld.idx.msk [tilespmem:v6+s2+$0x0], $0xffff  }
0x63: {  	vm2 =	vmand vm2, vm3;
	vm11 =	veq.s32 v28, v12;
	vm7 =	veq.s32 v28, $0x800;
	v23 =	vld.idx.msk [tilespmem:v10+s2+$0x0], $0xffff  }
0x64: {  	vm3 =	vmand vm6, vm8;
	vm6 =	veq.s32 v21, $0x800;
	vm8 =	veq.s32 v21, v12;
	v21 =	vld.idx.msk [tilespmem:v5+s2+$0x0], $0xffff  }
0x65: {  	s20 =	sadd.s32 $0x80, s20;
	vm10 =	veq.s32 v29, v12;
	vm9 =	veq.s32 v29, $0x800;
	vm6 =	vmand vm11, vm6;
	v24 =	vld.idx.msk [tilespmem:v11+s2+$0x0], $0xffff  }
0x66: {  	_ =	sdelay $0x3  }
0x67: {  	vm1 =	vmand vm10, vm1  }
0x68: {  	vm0 =	vmand vm9, vm0;
	[tilespmem:v18+s2+$0x0] =	vst.idx.msk vm4, v14  }
0x69: {  	vm12 =	veq.s32 v25, v12;
	vm13 =	veq.s32 v26, $0x800;
	[tilespmem:v15+s2+$0x0] =	vst.idx.msk vm5, v14;
	vm5 =	vmand vm7, vm8  }
0x6a: {  	vm14 =	veq.s32 v25, $0x800;
	vm15 =	veq.s32 v26, v12;
	[tilespmem:v16+s2+$0x0] =	vst.idx.msk vm2, v14;
	vm2 =	vmand vm12, vm13  }
0x6b: {  	vm12 =	veq.s32 v22, v12;
	[tilespmem:v13+s2+$0x0] =	vst.idx.msk vm3, v14;
	vm3 =	vmand vm14, vm15;
	vm13 =	veq.s32 v23, $0x800  }
0x6c: {  	[tilespmem:v17+s2+$0x0] =	vst.idx.msk vm6, v14;
	vm4 =	vmand vm12, vm13;
	vm12 =	veq.s32 v21, v12;
	vm13 =	veq.s32 v24, $0x800  }
0x6d: {  	vm14 =	veq.s32 v22, $0x800;
	vm15 =	veq.s32 v23, v12;
	vm6 =	vmand vm12, vm13;
	[tilespmem:v7+s2+$0x0] =	vst.idx.msk vm1, v14  }
0x6e: {  	vm1 =	vmand vm14, vm15;
	vm14 =	veq.s32 v21, $0x800;
	vm15 =	veq.s32 v24, v12;
	[tilespmem:v19+s2+$0x0] =	vst.idx.msk vm0, v14  }
0x6f: {  	vm0 =	vmand vm14, vm15;
	[tilespmem:v9+s2+$0x0] =	vst.idx.msk vm5, v14  }
0x70: {  	[tilespmem:v8+s2+$0x0] =	vst.idx.msk vm2, v14  }
0x71: {  	[tilespmem:v4+s2+$0x0] =	vst.idx.msk vm3, v14  }
0x72: {  	[tilespmem:v10+s2+$0x0] =	vst.idx.msk vm4, v14  }
0x73: {  	[tilespmem:v11+s2+$0x0] =	vst.idx.msk vm6, v14  }
0x74: {  	[tilespmem:v6+s2+$0x0] =	vst.idx.msk vm1, v14  }
0x75: {  	[tilespmem:v5+s2+$0x0] =	vst.idx.msk vm0, v14  }
0x76: {  	v5 =	vld [tilespmem:s18+$0xFFFFFFC0]  }
0x77: {  	v6 =	vld [tilespmem:s18+$0xFFFFFFD0]  }
0x78: {  	v8 =	vld [tilespmem:s18+$0xFFFFFFE0]  }
0x79: {  	v7 =	vld [tilespmem:s18+$0xFFFFFFF0]  }
0x7a: {  	v4 =	vld [tilespmem:s18+$0x0]  }
0x7b: {  	vm0 =	vlt.s32 v5, $0x800;
	v5 =	vld [tilespmem:s18+$0x10]  }
0x7c: {  	v9 =	vsel vm0, $0x1, v3;
	vm0 =	vlt.s32 v6, $0x800;
	v6 =	vld [tilespmem:s18+$0x20]  }
0x7d: {  	s17 =	simm.s32 $0x0;
	v9 =	vadd.s32 v9, v20;
	v10 =	vsel vm0, $0x1, v3;
	vm0 =	vlt.s32 v8, $0x800;
	v8 =	vld [tilespmem:s18+$0x30];
	s18 =	simm.s32 $0xC0  }
.LBB2_7:
0x7e: {  	v11 =	vld [tilespmem:s18+$0xFFFFFFC0];
	s17 =	sadd.s32 $0x8, s17;
	v9 =	vadd.s32 v10, v9;
	v10 =	vsel vm0, $0x1, v3;
	vm0 =	vlt.s32 v7, $0x800  }
0x7f: {  	v12 =	vld [tilespmem:s18+$0xFFFFFFD0];
	p1 =	slt.u32 s17, $0x78;
	v7 =	vadd.s32 v10, v9;
	v9 =	vsel vm0, $0x1, v3;
	vm0 =	vlt.s32 v4, $0x800  }
0x80: {  	v13 =	vld [tilespmem:s18+$0xFFFFFFE0];
	v4 =	vadd.s32 v9, v7;
	v9 =	vsel vm0, $0x1, v3;
	vm0 =	vlt.s32 v5, $0x800  }
.Ltmp3:
0x81: {  	v7 =	vld [tilespmem:s18+$0xFFFFFFF0];
	v5 =	vadd.s32 v9, v4;
	v9 =	vsel vm0, $0x1, v3;
	vm0 =	vlt.s32 v6, $0x800;
	(pc) =	sbr.rel @p1 .LBB2_7-.Ltmp3, $4  }
0x82: {  	v4 =	vld [tilespmem:s18+$0x0];
	v6 =	vadd.s32 v9, v5;
	v9 =	vsel vm0, $0x1, v3;
	vm0 =	vlt.s32 v8, $0x800  }
0x83: {  	vm1 =	vlt.s32 v11, $0x800;
	v5 =	vld [tilespmem:s18+$0x10];
	v8 =	vadd.s32 v9, v6;
	v9 =	vsel vm0, $0x1, v3  }
0x84: {  	v10 =	vsel vm1, $0x1, v3;
	vm0 =	vlt.s32 v12, $0x800;
	v6 =	vld [tilespmem:s18+$0x20];
	v8 =	vadd.s32 v9, v8  }
0x85: {  	v9 =	vadd.s32 v10, v8;
	v10 =	vsel vm0, $0x1, v3;
	vm0 =	vlt.s32 v13, $0x800;
	v8 =	vld [tilespmem:s18+$0x30];
	s18 =	sadd.s32 $0x80, s18  }
0x86: {  	v9 =	vadd.s32 v10, v9;
	v60 =	vsel vm0, $0x1, v3;
	vm11 =	vlt.s32 v7, $0x800  }
0x87: {  	v61 =	vadd.s32 v60, v9;
	v62 =	vsel vm11, $0x1, v3;
	vm12 =	vlt.s32 v4, $0x800  }
0x88: {  	v4 =	vadd.s32 v62, v61;
	v63 =	vsel vm12, $0x1, v3;
	vm13 =	vlt.s32 v5, $0x800  }
0x89: {  	v4 =	vadd.s32 v63, v4;
	v5 =	vsel vm13, $0x1, v3;
	vm14 =	vlt.s32 v6, $0x800  }
0x8a: {  	v4 =	vadd.s32 v5, v4;
	v5 =	vsel vm14, $0x1, v3;
	vm15 =	vlt.s32 v8, $0x800  }
0x8b: {  	v4 =	vadd.s32 v5, v4;
	v5 =	vsel vm15, $0x1, v3  }
0x8c: {  	v4 =	vadd.s32 v5, v4  }
0x8d: {  	(xrf0) =	vadd.scan.msk.s32 $0xffff, v4;
	_ =	sdelay $0x5  }
0x8e: {  	v4, _, _ =	vpop (xrf0)  }
0x8f: {  	(v2sf) =	vpush v4, $0xF;
	_ =	sdelay $0xe  }
0x90: {  	p1 =	sgt.u32 s15, $0x7FE;
	s17 =	spop (v2sf)  }
0x91: {  	p2 =	sne.s32 @!p1 s17, s16  }
0x92: {  	p1 =	por p1, !p2  }
.Ltmp4:
0x93: {  	_ = 	snop;
	(pc) =	sbr.rel @!p1 .LBB2_4-.Ltmp4, $2  }
0x94: {  	_ =	sdelay $0x2  }
0x95: {  	s15 =	sadd.s32 $0x1, s15;
	s16 =	smov.u32 s17  }
0x96: {  	[hbm4b:s5+s8] =	stream.strided.scatter [tilespmem:s2], [sflag:$0x1], $0x800, s9, s8, $0x38;
	[tilespmem:$0x3880] =	vst v63  }
0x97: {  	s14 =	sadd.s32 $0x1, s14;
	_ =	swait.ge [sflag:s11], $0x800  }
0x98: {  	p1 =	sne.s32 s14, s7;
	[sflag:s11] =	ssyncset.done $0x0  }
.Ltmp5:
0x99: {  	[sflag:s11] =	ssyncadd.s32 $0xFFFFF800;
	(pc) =	sbr.rel @p1 .LBB2_2-.Ltmp5, $4  }
0x9a: {  	[hbm4b:s6+s2] =	stream.linear.scatter [tilespmem:s2], [sflag:$0x1], $0x80, $0x38;
	[tilespmem:$0x3880] =	vst v63  }
0x9b: {  	_ =	swait.ge [sflag:s11], $0x80  }
0x9c: {  	[sflag:s11] =	ssyncset.done $0x0  }
0x9d: {  	[sflag:s11] =	ssyncadd.s32 $0xFFFFFF80  }
.LBB2_10:
0x9e: {  	_ =	sfence.sel $0x180000  }
0x9f: {  	[bflag:$0x0] =	sbarrier.arrive $0xFFFF  }
0xa0: {  	_ =	strace $0x90000047  }
0xa1: {  	s0 =	sadd.s32 @!p0 $0x100000, s0;
	[bflag:$0x2] =	sbarrier.arrive $0xFFFF  }
0xa2: {  	[sflag:s0] =	ssyncadd.tile.s32 @!p0 $0x1;
	_ =	shalt  }
.Lfunc_end2:
_tile_overlayer_lowered:
.L_overlay_start_2:
0xa3: {  	(tag) =	ssettag $0x2  }
0xa4: {  	s0 =	rddreg [dreg:$0x0];
	s2 =	stileid.u32  }
0xa5: {  	s1 =	rddreg [dreg:$0x1];
	p0 =	sne.s32 s2, $0x0  }
0xa6: {  	s3 =	rddreg [dreg:$0x2];
	[bflag:$0x3] =	sbarrier.arrive $0xFFFF;
	s2 =	simm.s32 @!p0 $0x1C01  }
0xa7: {  	[timem:s3], [sflag:s2] =	dma.local @!p0 [hbm:s0], s1  }
0xa8: {  	s0 =	simm.s32 @!p0 $0x1  }
0xa9: {  	_ =	swait.ge @!p0 [sflag:s0], s1  }
0xaa: {  	s1 =	ssub.s32 @!p0 $0x0, s1;
	[sflag:s0] =	ssyncset.done @!p0 $0x0  }
0xab: {  	[sflag:s0] =	ssyncadd.s32 @!p0 s1  }
0xac: {  	[bflag:$0x3] =	sbarrier.arrive $0xFFFF  }
0xad: {  	_ =	shalt  }

</sc_bundles>
